<compile_context>
chip_gen: v7x
topology: tpu7x:2x2x1
jax: 0.10.2.dev20260603
libtpu: 0.0.44.dev20260713+nightly
codegen_flags: <defaults>
</compile_context>

<pallas_src>
import functools

import jax
import jax.numpy as jnp
from jax import lax
from jax.experimental import pallas as pl
from jax.experimental.pallas import tpu as pltpu
from jax.experimental.pallas import tpu_sc as plsc

EMBED_DIM = 64

_INFO = plsc.get_sparse_core_info()
_NC, _NS = _INFO.num_cores, _INFO.num_subcores
_NW = _NC * _NS

_NT = 128
_CH = 256
_NBUF = 4


def _gather_kernel(b_per_w, T, idx_hbm, table_hbm, out_hbm, idx_v,
                   b0, b1, b2, b3, g0, g1, g2, g3, w0, w1, w2, w3):
  bufs = (b0, b1, b2, b3)
  gsems = (g0, g1, g2, g3)
  wsems = (w0, w1, w2, w3)
  wid = lax.axis_index("s") * _NC + lax.axis_index("c")
  base = wid * b_per_w
  pltpu.sync_copy(idx_hbm.at[pl.ds(base, b_per_w)], idx_v)

  def fire(t, b):
    for j in range(_CH // _NT):
      off = pl.multiple_of(t * _CH + j * _NT, _NT)
      pltpu.async_copy(table_hbm.at[idx_v.at[pl.ds(off, _NT)]],
                       bufs[b].at[pl.ds(j * _NT, _NT)], gsems[b])

  def wait_g(b):
    pltpu.make_async_copy(table_hbm.at[pl.ds(0, _CH)], bufs[b],
                          gsems[b]).wait()

  def awrite(t, b):
    off = pl.multiple_of(base + t * _CH, _NT)
    pltpu.async_copy(bufs[b], out_hbm.at[pl.ds(off, _CH)], wsems[b])

  def wait_w(b):
    pltpu.make_async_copy(bufs[b], out_hbm.at[pl.ds(0, _CH)],
                          wsems[b]).wait()

  fire(0, 0)
  fire(1, 1)
  wait_g(0); awrite(0, 0); fire(2, 2)
  wait_g(1); awrite(1, 1); fire(3, 3)

  @pl.loop(2, T - 2, step=_NBUF)
  def _main(t0):
    for i in range(_NBUF):
      t = t0 + i
      b = (2 + i) % _NBUF
      wait_g(b)
      awrite(t, b)
      wait_w((b + 2) % _NBUF)
      fire(t + 2, (b + 2) % _NBUF)

  wait_g(2); awrite(T - 2, 2); wait_w(0)
  wait_g(3); awrite(T - 1, 3); wait_w(1)
  wait_w(2); wait_w(3)


@jax.jit
def kernel(input, table):
  orig_shape = input.shape
  flat_idx = input.reshape(-1).astype(jnp.int32)
  n = flat_idx.shape[0]
  assert n % (_NW * _CH) == 0
  b_per_w = n // _NW
  T = b_per_w // _CH
  assert (T - 4) % _NBUF == 0

  mesh = plsc.VectorSubcoreMesh(core_axis_name="c", subcore_axis_name="s")
  out = pl.kernel(
      functools.partial(_gather_kernel, b_per_w, T),
      out_type=jax.ShapeDtypeStruct((n, EMBED_DIM), jnp.float32),
      mesh=mesh,
      scratch_types=[pltpu.VMEM((b_per_w,), jnp.int32)]
      + [pltpu.VMEM((_CH, EMBED_DIM), jnp.float32) for _ in range(_NBUF)]
      + [pltpu.SemaphoreType.DMA for _ in range(2 * _NBUF)],
      compiler_params=pltpu.CompilerParams(use_tc_tiling_on_sc=False),
  )(flat_idx, table)
  return out.reshape(*orig_shape, EMBED_DIM)

# --- scband reference (transcript-rebuilt; emitter-appended) ---
"""Pipeline reference for scband-glove-embeddings-54460185313465 (READ-ONLY COPY).

The authoritative reference and input builder live on the scoring server;
editing this copy changes nothing except your own understanding.
"""

import jax, jax.numpy as jnp
import numpy as np

NO_TOKENS = 1000000
EMBED_DIM = 64

def setup_inputs(seed: int = 0) -> dict:
    key = jax.random.key(seed)
    k_idx, k_tab = jax.random.split(key)
    indices = jax.random.randint(k_idx, (4096, 200), 0, NO_TOKENS, dtype=jnp.int64 if jax.config.read('jax_enable_x64') else jnp.int32)
    table = jax.random.normal(k_tab, (NO_TOKENS, EMBED_DIM), dtype=jnp.float32)
    return {"input": indices, "table": table}

def reference(input, table):
    # nn.Embedding forward: row gather from the embedding table
    return jnp.take(table, input, axis=0)

if __name__ == "__main__":
    import jax
    _d = setup_inputs()
    print(jax.jit(kernel)(*tuple(_d.values())))

</pallas_src>

<mosaic_0001>
#map = affine_map<(d0, d1) -> (0)>
#map1 = affine_map<(d0, d1) -> (0, 0)>
module attributes {stable_mosaic.version = 14 : i64} {
  func.func @_gather_kernel(%arg0: i32, %arg1: i32, %arg2: memref<819200xi32, #tpu.memory_space<hbm>>, %arg3: memref<1000000x64xf32, #tpu.memory_space<hbm>>, %arg4: memref<819200x64xf32, #tpu.memory_space<hbm>>, %arg5: memref<25600xi32, #tpu.memory_space<vmem>>, %arg6: memref<256x64xf32, #tpu.memory_space<vmem>>, %arg7: memref<256x64xf32, #tpu.memory_space<vmem>>, %arg8: memref<256x64xf32, #tpu.memory_space<vmem>>, %arg9: memref<256x64xf32, #tpu.memory_space<vmem>>, %arg10: memref<!tpu.dma_semaphore, #tpu.memory_space<semaphore_mem>>, %arg11: memref<!tpu.dma_semaphore, #tpu.memory_space<semaphore_mem>>, %arg12: memref<!tpu.dma_semaphore, #tpu.memory_space<semaphore_mem>>, %arg13: memref<!tpu.dma_semaphore, #tpu.memory_space<semaphore_mem>>, %arg14: memref<!tpu.dma_semaphore, #tpu.memory_space<semaphore_mem>>, %arg15: memref<!tpu.dma_semaphore, #tpu.memory_space<semaphore_mem>>, %arg16: memref<!tpu.dma_semaphore, #tpu.memory_space<semaphore_mem>>, %arg17: memref<!tpu.dma_semaphore, #tpu.memory_space<semaphore_mem>>) attributes {dimension_semantics = [#tpu.dimension_semantics<core_parallel>, #tpu.dimension_semantics<subcore_parallel>], iteration_bounds = array<i64: 2, 16>, scalar_prefetch = 0 : i64, scratch_operands = 13 : i64, tpu.core_type = #tpu.core_type<sc_vector_subcore>, window_params = [{transform_indices = #map}, {transform_indices = #map1}, {transform_indices = #map1}]} {
    %mul3A = arith.constant 2 : i32
    %mul3A_0 = arith.muli %arg1, %mul3A : i32
    %add3A = arith.addi %mul3A_0, %arg0 : i32
    %mul3A_1 = arith.constant 25600 : i32
    %mul3A_2 = arith.muli %add3A, %mul3A_1 : i32
    "tpu.region"() ({
      %run_scoped3A = tpu.sem_alloc : memref<!tpu.dma_semaphore, #tpu.memory_space<semaphore_mem>>
      %dma_start3A_152 = tpu.memref_slice %arg2[%mul3A_2] : memref<819200xi32, #tpu.memory_space<hbm>> -> memref<25600xi32, #tpu.memory_space<hbm>>
      %dma_start3A_153 = tpu.memref_slice %arg2[%mul3A_2] : memref<819200xi32, #tpu.memory_space<hbm>> -> memref<25600xi32, #tpu.memory_space<hbm>>
      tpu.enqueue_dma source(%dma_start3A_153 : memref<25600xi32, #tpu.memory_space<hbm>>) target(%arg5 : memref<25600xi32, #tpu.memory_space<vmem>>) target_semaphore(%run_scoped3A : memref<!tpu.dma_semaphore, #tpu.memory_space<semaphore_mem>>)
      %dma_wait3A_154 = tpu.memref_slice %arg2[%mul3A_2] : memref<819200xi32, #tpu.memory_space<hbm>> -> memref<25600xi32, #tpu.memory_space<hbm>>
      %dma_wait3A_155 = tpu.memref_slice %arg2[%mul3A_2] : memref<819200xi32, #tpu.memory_space<hbm>> -> memref<25600xi32, #tpu.memory_space<hbm>>
      tpu.wait_dma2 semaphore(%run_scoped3A : memref<!tpu.dma_semaphore, #tpu.memory_space<semaphore_mem>>) src(%dma_wait3A_155 : memref<25600xi32, #tpu.memory_space<hbm>>) dst(%arg5 : memref<25600xi32, #tpu.memory_space<vmem>>)
      tpu.yield
    }) : () -> ()
    %multiple_of3A = arith.constant 0 : i32
    %multiple_of3A_3 = tpu.assume_multiple %multiple_of3A, 128 : i32
    %dma_start3A = arith.constant 0 : i32
    %dma_start3A_4 = arith.constant 0 : i32
    %dma_start3A_5 = tpu.memref_slice %arg6[%dma_start3A, %dma_start3A_4] : memref<256x64xf32, #tpu.memory_space<vmem>> -> memref<128x64xf32, #tpu.memory_space<vmem>>
    %dma_start3A_6 = tpu.memref_slice %arg5[%multiple_of3A_3] : memref<25600xi32, #tpu.memory_space<vmem>> -> memref<128xi32, #tpu.memory_space<vmem>>
    %dma_start3A_7 = arith.constant 0 : i32
    %dma_start3A_8 = arith.constant 0 : i32
    %dma_start3A_9 = tpu.memref_slice %arg3[%dma_start3A_7, %dma_start3A_8] : memref<1000000x64xf32, #tpu.memory_space<hbm>> -> memref<1000000x64xf32, #tpu.memory_space<hbm>>
    tpu.enqueue_indirect_dma source(%dma_start3A_9 : memref<1000000x64xf32, #tpu.memory_space<hbm>>) target(%dma_start3A_5 : memref<128x64xf32, #tpu.memory_space<vmem>>) offsets(%dma_start3A_6 : memref<128xi32, #tpu.memory_space<vmem>>) semaphore(%arg10 : memref<!tpu.dma_semaphore, #tpu.memory_space<semaphore_mem>>)
    %multiple_of3A_10 = arith.constant 128 : i32
    %multiple_of3A_11 = tpu.assume_multiple %multiple_of3A_10, 128 : i32
    %dma_start3A_12 = arith.constant 128 : i32
    %dma_start3A_13 = arith.constant 0 : i32
    %dma_start3A_14 = tpu.memref_slice %arg6[%dma_start3A_12, %dma_start3A_13] : memref<256x64xf32, #tpu.memory_space<vmem>> -> memref<128x64xf32, #tpu.memory_space<vmem>>
    %dma_start3A_15 = tpu.memref_slice %arg5[%multiple_of3A_11] : memref<25600xi32, #tpu.memory_space<vmem>> -> memref<128xi32, #tpu.memory_space<vmem>>
    %dma_start3A_16 = arith.constant 0 : i32
    %dma_start3A_17 = arith.constant 0 : i32
    %dma_start3A_18 = tpu.memref_slice %arg3[%dma_start3A_16, %dma_start3A_17] : memref<1000000x64xf32, #tpu.memory_space<hbm>> -> memref<1000000x64xf32, #tpu.memory_space<hbm>>
    tpu.enqueue_indirect_dma source(%dma_start3A_18 : memref<1000000x64xf32, #tpu.memory_space<hbm>>) target(%dma_start3A_14 : memref<128x64xf32, #tpu.memory_space<vmem>>) offsets(%dma_start3A_15 : memref<128xi32, #tpu.memory_space<vmem>>) semaphore(%arg10 : memref<!tpu.dma_semaphore, #tpu.memory_space<semaphore_mem>>)
    %multiple_of3A_19 = arith.constant 256 : i32
    %multiple_of3A_20 = tpu.assume_multiple %multiple_of3A_19, 128 : i32
    %dma_start3A_21 = arith.constant 0 : i32
    %dma_start3A_22 = arith.constant 0 : i32
    %dma_start3A_23 = tpu.memref_slice %arg7[%dma_start3A_21, %dma_start3A_22] : memref<256x64xf32, #tpu.memory_space<vmem>> -> memref<128x64xf32, #tpu.memory_space<vmem>>
    %dma_start3A_24 = tpu.memref_slice %arg5[%multiple_of3A_20] : memref<25600xi32, #tpu.memory_space<vmem>> -> memref<128xi32, #tpu.memory_space<vmem>>
    %dma_start3A_25 = arith.constant 0 : i32
    %dma_start3A_26 = arith.constant 0 : i32
    %dma_start3A_27 = tpu.memref_slice %arg3[%dma_start3A_25, %dma_start3A_26] : memref<1000000x64xf32, #tpu.memory_space<hbm>> -> memref<1000000x64xf32, #tpu.memory_space<hbm>>
    tpu.enqueue_indirect_dma source(%dma_start3A_27 : memref<1000000x64xf32, #tpu.memory_space<hbm>>) target(%dma_start3A_23 : memref<128x64xf32, #tpu.memory_space<vmem>>) offsets(%dma_start3A_24 : memref<128xi32, #tpu.memory_space<vmem>>) semaphore(%arg11 : memref<!tpu.dma_semaphore, #tpu.memory_space<semaphore_mem>>)
    %multiple_of3A_28 = arith.constant 384 : i32
    %multiple_of3A_29 = tpu.assume_multiple %multiple_of3A_28, 128 : i32
    %dma_start3A_30 = arith.constant 128 : i32
    %dma_start3A_31 = arith.constant 0 : i32
    %dma_start3A_32 = tpu.memref_slice %arg7[%dma_start3A_30, %dma_start3A_31] : memref<256x64xf32, #tpu.memory_space<vmem>> -> memref<128x64xf32, #tpu.memory_space<vmem>>
    %dma_start3A_33 = tpu.memref_slice %arg5[%multiple_of3A_29] : memref<25600xi32, #tpu.memory_space<vmem>> -> memref<128xi32, #tpu.memory_space<vmem>>
    %dma_start3A_34 = arith.constant 0 : i32
    %dma_start3A_35 = arith.constant 0 : i32
    %dma_start3A_36 = tpu.memref_slice %arg3[%dma_start3A_34, %dma_start3A_35] : memref<1000000x64xf32, #tpu.memory_space<hbm>> -> memref<1000000x64xf32, #tpu.memory_space<hbm>>
    tpu.enqueue_indirect_dma source(%dma_start3A_36 : memref<1000000x64xf32, #tpu.memory_space<hbm>>) target(%dma_start3A_32 : memref<128x64xf32, #tpu.memory_space<vmem>>) offsets(%dma_start3A_33 : memref<128xi32, #tpu.memory_space<vmem>>) semaphore(%arg11 : memref<!tpu.dma_semaphore, #tpu.memory_space<semaphore_mem>>)
    %dma_wait3A = arith.constant 0 : i32
    %dma_wait3A_37 = arith.constant 0 : i32
    %dma_wait3A_38 = tpu.memref_slice %arg3[%dma_wait3A, %dma_wait3A_37] : memref<1000000x64xf32, #tpu.memory_space<hbm>> -> memref<256x64xf32, #tpu.memory_space<hbm>>
    %dma_wait3A_39 = arith.constant 0 : i32
    %dma_wait3A_40 = arith.constant 0 : i32
    %dma_wait3A_41 = tpu.memref_slice %arg3[%dma_wait3A_39, %dma_wait3A_40] : memref<1000000x64xf32, #tpu.memory_space<hbm>> -> memref<256x64xf32, #tpu.memory_space<hbm>>
    tpu.wait_dma2 semaphore(%arg10 : memref<!tpu.dma_semaphore, #tpu.memory_space<semaphore_mem>>) src(%dma_wait3A_41 : memref<256x64xf32, #tpu.memory_space<hbm>>) dst(%arg6 : memref<256x64xf32, #tpu.memory_space<vmem>>)
    %add3A_42 = arith.constant 0 : i32
    %add3A_43 = arith.addi %mul3A_2, %add3A_42 : i32
    %multiple_of3A_44 = tpu.assume_multiple %add3A_43, 128 : i32
    %dma_start3A_45 = arith.constant 0 : i32
    %dma_start3A_46 = tpu.memref_slice %arg4[%multiple_of3A_44, %dma_start3A_45] : memref<819200x64xf32, #tpu.memory_space<hbm>> -> memref<256x64xf32, #tpu.memory_space<hbm>>
    %dma_start3A_47 = arith.constant 0 : i32
    %dma_start3A_48 = tpu.memref_slice %arg4[%multiple_of3A_44, %dma_start3A_47] : memref<819200x64xf32, #tpu.memory_space<hbm>> -> memref<256x64xf32, #tpu.memory_space<hbm>>
    tpu.enqueue_dma source(%arg6 : memref<256x64xf32, #tpu.memory_space<vmem>>) target(%dma_start3A_48 : memref<256x64xf32, #tpu.memory_space<hbm>>) target_semaphore(%arg14 : memref<!tpu.dma_semaphore, #tpu.memory_space<semaphore_mem>>)
    %multiple_of3A_49 = arith.constant 512 : i32
    %multiple_of3A_50 = tpu.assume_multiple %multiple_of3A_49, 128 : i32
    %dma_start3A_51 = arith.constant 0 : i32
    %dma_start3A_52 = arith.constant 0 : i32
    %dma_start3A_53 = tpu.memref_slice %arg8[%dma_start3A_51, %dma_start3A_52] : memref<256x64xf32, #tpu.memory_space<vmem>> -> memref<128x64xf32, #tpu.memory_space<vmem>>
    %dma_start3A_54 = tpu.memref_slice %arg5[%multiple_of3A_50] : memref<25600xi32, #tpu.memory_space<vmem>> -> memref<128xi32, #tpu.memory_space<vmem>>
    %dma_start3A_55 = arith.constant 0 : i32
    %dma_start3A_56 = arith.constant 0 : i32
    %dma_start3A_57 = tpu.memref_slice %arg3[%dma_start3A_55, %dma_start3A_56] : memref<1000000x64xf32, #tpu.memory_space<hbm>> -> memref<1000000x64xf32, #tpu.memory_space<hbm>>
    tpu.enqueue_indirect_dma source(%dma_start3A_57 : memref<1000000x64xf32, #tpu.memory_space<hbm>>) target(%dma_start3A_53 : memref<128x64xf32, #tpu.memory_space<vmem>>) offsets(%dma_start3A_54 : memref<128xi32, #tpu.memory_space<vmem>>) semaphore(%arg12 : memref<!tpu.dma_semaphore, #tpu.memory_space<semaphore_mem>>)
    %multiple_of3A_58 = arith.constant 640 : i32
    %multiple_of3A_59 = tpu.assume_multiple %multiple_of3A_58, 128 : i32
    %dma_start3A_60 = arith.constant 128 : i32
    %dma_start3A_61 = arith.constant 0 : i32
    %dma_start3A_62 = tpu.memref_slice %arg8[%dma_start3A_60, %dma_start3A_61] : memref<256x64xf32, #tpu.memory_space<vmem>> -> memref<128x64xf32, #tpu.memory_space<vmem>>
    %dma_start3A_63 = tpu.memref_slice %arg5[%multiple_of3A_59] : memref<25600xi32, #tpu.memory_space<vmem>> -> memref<128xi32, #tpu.memory_space<vmem>>
    %dma_start3A_64 = arith.constant 0 : i32
    %dma_start3A_65 = arith.constant 0 : i32
    %dma_start3A_66 = tpu.memref_slice %arg3[%dma_start3A_64, %dma_start3A_65] : memref<1000000x64xf32, #tpu.memory_space<hbm>> -> memref<1000000x64xf32, #tpu.memory_space<hbm>>
    tpu.enqueue_indirect_dma source(%dma_start3A_66 : memref<1000000x64xf32, #tpu.memory_space<hbm>>) target(%dma_start3A_62 : memref<128x64xf32, #tpu.memory_space<vmem>>) offsets(%dma_start3A_63 : memref<128xi32, #tpu.memory_space<vmem>>) semaphore(%arg12 : memref<!tpu.dma_semaphore, #tpu.memory_space<semaphore_mem>>)
    %dma_wait3A_67 = arith.constant 0 : i32
    %dma_wait3A_68 = arith.constant 0 : i32
    %dma_wait3A_69 = tpu.memref_slice %arg3[%dma_wait3A_67, %dma_wait3A_68] : memref<1000000x64xf32, #tpu.memory_space<hbm>> -> memref<256x64xf32, #tpu.memory_space<hbm>>
    %dma_wait3A_70 = arith.constant 0 : i32
    %dma_wait3A_71 = arith.constant 0 : i32
    %dma_wait3A_72 = tpu.memref_slice %arg3[%dma_wait3A_70, %dma_wait3A_71] : memref<1000000x64xf32, #tpu.memory_space<hbm>> -> memref<256x64xf32, #tpu.memory_space<hbm>>
    tpu.wait_dma2 semaphore(%arg11 : memref<!tpu.dma_semaphore, #tpu.memory_space<semaphore_mem>>) src(%dma_wait3A_72 : memref<256x64xf32, #tpu.memory_space<hbm>>) dst(%arg7 : memref<256x64xf32, #tpu.memory_space<vmem>>)
    %add3A_73 = arith.constant 256 : i32
    %add3A_74 = arith.addi %mul3A_2, %add3A_73 : i32
    %multiple_of3A_75 = tpu.assume_multiple %add3A_74, 128 : i32
    %dma_start3A_76 = arith.constant 0 : i32
    %dma_start3A_77 = tpu.memref_slice %arg4[%multiple_of3A_75, %dma_start3A_76] : memref<819200x64xf32, #tpu.memory_space<hbm>> -> memref<256x64xf32, #tpu.memory_space<hbm>>
    %dma_start3A_78 = arith.constant 0 : i32
    %dma_start3A_79 = tpu.memref_slice %arg4[%multiple_of3A_75, %dma_start3A_78] : memref<819200x64xf32, #tpu.memory_space<hbm>> -> memref<256x64xf32, #tpu.memory_space<hbm>>
    tpu.enqueue_dma source(%arg7 : memref<256x64xf32, #tpu.memory_space<vmem>>) target(%dma_start3A_79 : memref<256x64xf32, #tpu.memory_space<hbm>>) target_semaphore(%arg15 : memref<!tpu.dma_semaphore, #tpu.memory_space<semaphore_mem>>)
    %multiple_of3A_80 = arith.constant 768 : i32
    %multiple_of3A_81 = tpu.assume_multiple %multiple_of3A_80, 128 : i32
    %dma_start3A_82 = arith.constant 0 : i32
    %dma_start3A_83 = arith.constant 0 : i32
    %dma_start3A_84 = tpu.memref_slice %arg9[%dma_start3A_82, %dma_start3A_83] : memref<256x64xf32, #tpu.memory_space<vmem>> -> memref<128x64xf32, #tpu.memory_space<vmem>>
    %dma_start3A_85 = tpu.memref_slice %arg5[%multiple_of3A_81] : memref<25600xi32, #tpu.memory_space<vmem>> -> memref<128xi32, #tpu.memory_space<vmem>>
    %dma_start3A_86 = arith.constant 0 : i32
    %dma_start3A_87 = arith.constant 0 : i32
    %dma_start3A_88 = tpu.memref_slice %arg3[%dma_start3A_86, %dma_start3A_87] : memref<1000000x64xf32, #tpu.memory_space<hbm>> -> memref<1000000x64xf32, #tpu.memory_space<hbm>>
    tpu.enqueue_indirect_dma source(%dma_start3A_88 : memref<1000000x64xf32, #tpu.memory_space<hbm>>) target(%dma_start3A_84 : memref<128x64xf32, #tpu.memory_space<vmem>>) offsets(%dma_start3A_85 : memref<128xi32, #tpu.memory_space<vmem>>) semaphore(%arg13 : memref<!tpu.dma_semaphore, #tpu.memory_space<semaphore_mem>>)
    %multiple_of3A_89 = arith.constant 896 : i32
    %multiple_of3A_90 = tpu.assume_multiple %multiple_of3A_89, 128 : i32
    %dma_start3A_91 = arith.constant 128 : i32
    %dma_start3A_92 = arith.constant 0 : i32
    %dma_start3A_93 = tpu.memref_slice %arg9[%dma_start3A_91, %dma_start3A_92] : memref<256x64xf32, #tpu.memory_space<vmem>> -> memref<128x64xf32, #tpu.memory_space<vmem>>
    %dma_start3A_94 = tpu.memref_slice %arg5[%multiple_of3A_90] : memref<25600xi32, #tpu.memory_space<vmem>> -> memref<128xi32, #tpu.memory_space<vmem>>
    %dma_start3A_95 = arith.constant 0 : i32
    %dma_start3A_96 = arith.constant 0 : i32
    %dma_start3A_97 = tpu.memref_slice %arg3[%dma_start3A_95, %dma_start3A_96] : memref<1000000x64xf32, #tpu.memory_space<hbm>> -> memref<1000000x64xf32, #tpu.memory_space<hbm>>
    tpu.enqueue_indirect_dma source(%dma_start3A_97 : memref<1000000x64xf32, #tpu.memory_space<hbm>>) target(%dma_start3A_93 : memref<128x64xf32, #tpu.memory_space<vmem>>) offsets(%dma_start3A_94 : memref<128xi32, #tpu.memory_space<vmem>>) semaphore(%arg13 : memref<!tpu.dma_semaphore, #tpu.memory_space<semaphore_mem>>)
    %scan3A = arith.constant 0 : i32
    %scan3A_98 = arith.constant 24 : i32
    %scan3A_99 = arith.addi %scan3A, %scan3A_98 : i32
    %scan3A_100 = arith.constant 1 : i32
    scf.for %scan3A_152 = %scan3A to %scan3A_99 step %scan3A_100  : i32 {
      %mul3A_153 = arith.constant 4 : i32
      %mul3A_154 = arith.muli %scan3A_152, %mul3A_153 : i32
      %add3A_155 = arith.constant 2 : i32
      %add3A_156 = arith.addi %add3A_155, %mul3A_154 : i32
      %add3A_157 = arith.constant 0 : i32
      %add3A_158 = arith.addi %add3A_156, %add3A_157 : i32
      %dma_wait3A_159 = arith.constant 0 : i32
      %dma_wait3A_160 = arith.constant 0 : i32
      %dma_wait3A_161 = tpu.memref_slice %arg3[%dma_wait3A_159, %dma_wait3A_160] : memref<1000000x64xf32, #tpu.memory_space<hbm>> -> memref<256x64xf32, #tpu.memory_space<hbm>>
      %dma_wait3A_162 = arith.constant 0 : i32
      %dma_wait3A_163 = arith.constant 0 : i32
      %dma_wait3A_164 = tpu.memref_slice %arg3[%dma_wait3A_162, %dma_wait3A_163] : memref<1000000x64xf32, #tpu.memory_space<hbm>> -> memref<256x64xf32, #tpu.memory_space<hbm>>
      tpu.wait_dma2 semaphore(%arg12 : memref<!tpu.dma_semaphore, #tpu.memory_space<semaphore_mem>>) src(%dma_wait3A_164 : memref<256x64xf32, #tpu.memory_space<hbm>>) dst(%arg8 : memref<256x64xf32, #tpu.memory_space<vmem>>)
      %mul3A_165 = arith.constant 256 : i32
      %mul3A_166 = arith.muli %add3A_158, %mul3A_165 : i32
      %add3A_167 = arith.addi %mul3A_2, %mul3A_166 : i32
      %multiple_of3A_168 = tpu.assume_multiple %add3A_167, 128 : i32
      %dma_start3A_169 = arith.constant 0 : i32
      %dma_start3A_170 = tpu.memref_slice %arg4[%multiple_of3A_168, %dma_start3A_169] : memref<819200x64xf32, #tpu.memory_space<hbm>> -> memref<256x64xf32, #tpu.memory_space<hbm>>
      %dma_start3A_171 = arith.constant 0 : i32
      %dma_start3A_172 = tpu.memref_slice %arg4[%multiple_of3A_168, %dma_start3A_171] : memref<819200x64xf32, #tpu.memory_space<hbm>> -> memref<256x64xf32, #tpu.memory_space<hbm>>
      tpu.enqueue_dma source(%arg8 : memref<256x64xf32, #tpu.memory_space<vmem>>) target(%dma_start3A_172 : memref<256x64xf32, #tpu.memory_space<hbm>>) target_semaphore(%arg16 : memref<!tpu.dma_semaphore, #tpu.memory_space<semaphore_mem>>)
      %dma_wait3A_173 = arith.constant 0 : i32
      %dma_wait3A_174 = arith.constant 0 : i32
      %dma_wait3A_175 = tpu.memref_slice %arg4[%dma_wait3A_173, %dma_wait3A_174] : memref<819200x64xf32, #tpu.memory_space<hbm>> -> memref<256x64xf32, #tpu.memory_space<hbm>>
      %dma_wait3A_176 = arith.constant 0 : i32
      %dma_wait3A_177 = arith.constant 0 : i32
      %dma_wait3A_178 = tpu.memref_slice %arg4[%dma_wait3A_176, %dma_wait3A_177] : memref<819200x64xf32, #tpu.memory_space<hbm>> -> memref<256x64xf32, #tpu.memory_space<hbm>>
      tpu.wait_dma2 semaphore(%arg14 : memref<!tpu.dma_semaphore, #tpu.memory_space<semaphore_mem>>) src(%arg6 : memref<256x64xf32, #tpu.memory_space<vmem>>) dst(%dma_wait3A_178 : memref<256x64xf32, #tpu.memory_space<hbm>>)
      %add3A_179 = arith.constant 2 : i32
      %add3A_180 = arith.addi %add3A_158, %add3A_179 : i32
      %mul3A_181 = arith.constant 256 : i32
      %mul3A_182 = arith.muli %add3A_180, %mul3A_181 : i32
      %add3A_183 = arith.constant 0 : i32
      %add3A_184 = arith.addi %mul3A_182, %add3A_183 : i32
      %multiple_of3A_185 = tpu.assume_multiple %add3A_184, 128 : i32
      %dma_start3A_186 = arith.constant 0 : i32
      %dma_start3A_187 = arith.constant 0 : i32
      %dma_start3A_188 = tpu.memref_slice %arg6[%dma_start3A_186, %dma_start3A_187] : memref<256x64xf32, #tpu.memory_space<vmem>> -> memref<128x64xf32, #tpu.memory_space<vmem>>
      %dma_start3A_189 = tpu.memref_slice %arg5[%multiple_of3A_185] : memref<25600xi32, #tpu.memory_space<vmem>> -> memref<128xi32, #tpu.memory_space<vmem>>
      %dma_start3A_190 = arith.constant 0 : i32
      %dma_start3A_191 = arith.constant 0 : i32
      %dma_start3A_192 = tpu.memref_slice %arg3[%dma_start3A_190, %dma_start3A_191] : memref<1000000x64xf32, #tpu.memory_space<hbm>> -> memref<1000000x64xf32, #tpu.memory_space<hbm>>
      tpu.enqueue_indirect_dma source(%dma_start3A_192 : memref<1000000x64xf32, #tpu.memory_space<hbm>>) target(%dma_start3A_188 : memref<128x64xf32, #tpu.memory_space<vmem>>) offsets(%dma_start3A_189 : memref<128xi32, #tpu.memory_space<vmem>>) semaphore(%arg10 : memref<!tpu.dma_semaphore, #tpu.memory_space<semaphore_mem>>)
      %mul3A_193 = arith.constant 256 : i32
      %mul3A_194 = arith.muli %add3A_180, %mul3A_193 : i32
      %add3A_195 = arith.constant 128 : i32
      %add3A_196 = arith.addi %mul3A_194, %add3A_195 : i32
      %multiple_of3A_197 = tpu.assume_multiple %add3A_196, 128 : i32
      %dma_start3A_198 = arith.constant 128 : i32
      %dma_start3A_199 = arith.constant 0 : i32
      %dma_start3A_200 = tpu.memref_slice %arg6[%dma_start3A_198, %dma_start3A_199] : memref<256x64xf32, #tpu.memory_space<vmem>> -> memref<128x64xf32, #tpu.memory_space<vmem>>
      %dma_start3A_201 = tpu.memref_slice %arg5[%multiple_of3A_197] : memref<25600xi32, #tpu.memory_space<vmem>> -> memref<128xi32, #tpu.memory_space<vmem>>
      %dma_start3A_202 = arith.constant 0 : i32
      %dma_start3A_203 = arith.constant 0 : i32
      %dma_start3A_204 = tpu.memref_slice %arg3[%dma_start3A_202, %dma_start3A_203] : memref<1000000x64xf32, #tpu.memory_space<hbm>> -> memref<1000000x64xf32, #tpu.memory_space<hbm>>
      tpu.enqueue_indirect_dma source(%dma_start3A_204 : memref<1000000x64xf32, #tpu.memory_space<hbm>>) target(%dma_start3A_200 : memref<128x64xf32, #tpu.memory_space<vmem>>) offsets(%dma_start3A_201 : memref<128xi32, #tpu.memory_space<vmem>>) semaphore(%arg10 : memref<!tpu.dma_semaphore, #tpu.memory_space<semaphore_mem>>)
      %add3A_205 = arith.constant 1 : i32
      %add3A_206 = arith.addi %add3A_156, %add3A_205 : i32
      %dma_wait3A_207 = arith.constant 0 : i32
      %dma_wait3A_208 = arith.constant 0 : i32
      %dma_wait3A_209 = tpu.memref_slice %arg3[%dma_wait3A_207, %dma_wait3A_208] : memref<1000000x64xf32, #tpu.memory_space<hbm>> -> memref<256x64xf32, #tpu.memory_space<hbm>>
      %dma_wait3A_210 = arith.constant 0 : i32
      %dma_wait3A_211 = arith.constant 0 : i32
      %dma_wait3A_212 = tpu.memref_slice %arg3[%dma_wait3A_210, %dma_wait3A_211] : memref<1000000x64xf32, #tpu.memory_space<hbm>> -> memref<256x64xf32, #tpu.memory_space<hbm>>
      tpu.wait_dma2 semaphore(%arg13 : memref<!tpu.dma_semaphore, #tpu.memory_space<semaphore_mem>>) src(%dma_wait3A_212 : memref<256x64xf32, #tpu.memory_space<hbm>>) dst(%arg9 : memref<256x64xf32, #tpu.memory_space<vmem>>)
      %mul3A_213 = arith.constant 256 : i32
      %mul3A_214 = arith.muli %add3A_206, %mul3A_213 : i32
      %add3A_215 = arith.addi %mul3A_2, %mul3A_214 : i32
      %multiple_of3A_216 = tpu.assume_multiple %add3A_215, 128 : i32
      %dma_start3A_217 = arith.constant 0 : i32
      %dma_start3A_218 = tpu.memref_slice %arg4[%multiple_of3A_216, %dma_start3A_217] : memref<819200x64xf32, #tpu.memory_space<hbm>> -> memref<256x64xf32, #tpu.memory_space<hbm>>
      %dma_start3A_219 = arith.constant 0 : i32
      %dma_start3A_220 = tpu.memref_slice %arg4[%multiple_of3A_216, %dma_start3A_219] : memref<819200x64xf32, #tpu.memory_space<hbm>> -> memref<256x64xf32, #tpu.memory_space<hbm>>
      tpu.enqueue_dma source(%arg9 : memref<256x64xf32, #tpu.memory_space<vmem>>) target(%dma_start3A_220 : memref<256x64xf32, #tpu.memory_space<hbm>>) target_semaphore(%arg17 : memref<!tpu.dma_semaphore, #tpu.memory_space<semaphore_mem>>)
      %dma_wait3A_221 = arith.constant 0 : i32
      %dma_wait3A_222 = arith.constant 0 : i32
      %dma_wait3A_223 = tpu.memref_slice %arg4[%dma_wait3A_221, %dma_wait3A_222] : memref<819200x64xf32, #tpu.memory_space<hbm>> -> memref<256x64xf32, #tpu.memory_space<hbm>>
      %dma_wait3A_224 = arith.constant 0 : i32
      %dma_wait3A_225 = arith.constant 0 : i32
      %dma_wait3A_226 = tpu.memref_slice %arg4[%dma_wait3A_224, %dma_wait3A_225] : memref<819200x64xf32, #tpu.memory_space<hbm>> -> memref<256x64xf32, #tpu.memory_space<hbm>>
      tpu.wait_dma2 semaphore(%arg15 : memref<!tpu.dma_semaphore, #tpu.memory_space<semaphore_mem>>) src(%arg7 : memref<256x64xf32, #tpu.memory_space<vmem>>) dst(%dma_wait3A_226 : memref<256x64xf32, #tpu.memory_space<hbm>>)
      %add3A_227 = arith.constant 2 : i32
      %add3A_228 = arith.addi %add3A_206, %add3A_227 : i32
      %mul3A_229 = arith.constant 256 : i32
      %mul3A_230 = arith.muli %add3A_228, %mul3A_229 : i32
      %add3A_231 = arith.constant 0 : i32
      %add3A_232 = arith.addi %mul3A_230, %add3A_231 : i32
      %multiple_of3A_233 = tpu.assume_multiple %add3A_232, 128 : i32
      %dma_start3A_234 = arith.constant 0 : i32
      %dma_start3A_235 = arith.constant 0 : i32
      %dma_start3A_236 = tpu.memref_slice %arg7[%dma_start3A_234, %dma_start3A_235] : memref<256x64xf32, #tpu.memory_space<vmem>> -> memref<128x64xf32, #tpu.memory_space<vmem>>
      %dma_start3A_237 = tpu.memref_slice %arg5[%multiple_of3A_233] : memref<25600xi32, #tpu.memory_space<vmem>> -> memref<128xi32, #tpu.memory_space<vmem>>
      %dma_start3A_238 = arith.constant 0 : i32
      %dma_start3A_239 = arith.constant 0 : i32
      %dma_start3A_240 = tpu.memref_slice %arg3[%dma_start3A_238, %dma_start3A_239] : memref<1000000x64xf32, #tpu.memory_space<hbm>> -> memref<1000000x64xf32, #tpu.memory_space<hbm>>
      tpu.enqueue_indirect_dma source(%dma_start3A_240 : memref<1000000x64xf32, #tpu.memory_space<hbm>>) target(%dma_start3A_236 : memref<128x64xf32, #tpu.memory_space<vmem>>) offsets(%dma_start3A_237 : memref<128xi32, #tpu.memory_space<vmem>>) semaphore(%arg11 : memref<!tpu.dma_semaphore, #tpu.memory_space<semaphore_mem>>)
      %mul3A_241 = arith.constant 256 : i32
      %mul3A_242 = arith.muli %add3A_228, %mul3A_241 : i32
      %add3A_243 = arith.constant 128 : i32
      %add3A_244 = arith.addi %mul3A_242, %add3A_243 : i32
      %multiple_of3A_245 = tpu.assume_multiple %add3A_244, 128 : i32
      %dma_start3A_246 = arith.constant 128 : i32
      %dma_start3A_247 = arith.constant 0 : i32
      %dma_start3A_248 = tpu.memref_slice %arg7[%dma_start3A_246, %dma_start3A_247] : memref<256x64xf32, #tpu.memory_space<vmem>> -> memref<128x64xf32, #tpu.memory_space<vmem>>
      %dma_start3A_249 = tpu.memref_slice %arg5[%multiple_of3A_245] : memref<25600xi32, #tpu.memory_space<vmem>> -> memref<128xi32, #tpu.memory_space<vmem>>
      %dma_start3A_250 = arith.constant 0 : i32
      %dma_start3A_251 = arith.constant 0 : i32
      %dma_start3A_252 = tpu.memref_slice %arg3[%dma_start3A_250, %dma_start3A_251] : memref<1000000x64xf32, #tpu.memory_space<hbm>> -> memref<1000000x64xf32, #tpu.memory_space<hbm>>
      tpu.enqueue_indirect_dma source(%dma_start3A_252 : memref<1000000x64xf32, #tpu.memory_space<hbm>>) target(%dma_start3A_248 : memref<128x64xf32, #tpu.memory_space<vmem>>) offsets(%dma_start3A_249 : memref<128xi32, #tpu.memory_space<vmem>>) semaphore(%arg11 : memref<!tpu.dma_semaphore, #tpu.memory_space<semaphore_mem>>)
      %add3A_253 = arith.constant 2 : i32
      %add3A_254 = arith.addi %add3A_156, %add3A_253 : i32
      %dma_wait3A_255 = arith.constant 0 : i32
      %dma_wait3A_256 = arith.constant 0 : i32
      %dma_wait3A_257 = tpu.memref_slice %arg3[%dma_wait3A_255, %dma_wait3A_256] : memref<1000000x64xf32, #tpu.memory_space<hbm>> -> memref<256x64xf32, #tpu.memory_space<hbm>>
      %dma_wait3A_258 = arith.constant 0 : i32
      %dma_wait3A_259 = arith.constant 0 : i32
      %dma_wait3A_260 = tpu.memref_slice %arg3[%dma_wait3A_258, %dma_wait3A_259] : memref<1000000x64xf32, #tpu.memory_space<hbm>> -> memref<256x64xf32, #tpu.memory_space<hbm>>
      tpu.wait_dma2 semaphore(%arg10 : memref<!tpu.dma_semaphore, #tpu.memory_space<semaphore_mem>>) src(%dma_wait3A_260 : memref<256x64xf32, #tpu.memory_space<hbm>>) dst(%arg6 : memref<256x64xf32, #tpu.memory_space<vmem>>)
      %mul3A_261 = arith.constant 256 : i32
      %mul3A_262 = arith.muli %add3A_254, %mul3A_261 : i32
      %add3A_263 = arith.addi %mul3A_2, %mul3A_262 : i32
      %multiple_of3A_264 = tpu.assume_multiple %add3A_263, 128 : i32
      %dma_start3A_265 = arith.constant 0 : i32
      %dma_start3A_266 = tpu.memref_slice %arg4[%multiple_of3A_264, %dma_start3A_265] : memref<819200x64xf32, #tpu.memory_space<hbm>> -> memref<256x64xf32, #tpu.memory_space<hbm>>
      %dma_start3A_267 = arith.constant 0 : i32
      %dma_start3A_268 = tpu.memref_slice %arg4[%multiple_of3A_264, %dma_start3A_267] : memref<819200x64xf32, #tpu.memory_space<hbm>> -> memref<256x64xf32, #tpu.memory_space<hbm>>
      tpu.enqueue_dma source(%arg6 : memref<256x64xf32, #tpu.memory_space<vmem>>) target(%dma_start3A_268 : memref<256x64xf32, #tpu.memory_space<hbm>>) target_semaphore(%arg14 : memref<!tpu.dma_semaphore, #tpu.memory_space<semaphore_mem>>)
      %dma_wait3A_269 = arith.constant 0 : i32
      %dma_wait3A_270 = arith.constant 0 : i32
      %dma_wait3A_271 = tpu.memref_slice %arg4[%dma_wait3A_269, %dma_wait3A_270] : memref<819200x64xf32, #tpu.memory_space<hbm>> -> memref<256x64xf32, #tpu.memory_space<hbm>>
      %dma_wait3A_272 = arith.constant 0 : i32
      %dma_wait3A_273 = arith.constant 0 : i32
      %dma_wait3A_274 = tpu.memref_slice %arg4[%dma_wait3A_272, %dma_wait3A_273] : memref<819200x64xf32, #tpu.memory_space<hbm>> -> memref<256x64xf32, #tpu.memory_space<hbm>>
      tpu.wait_dma2 semaphore(%arg16 : memref<!tpu.dma_semaphore, #tpu.memory_space<semaphore_mem>>) src(%arg8 : memref<256x64xf32, #tpu.memory_space<vmem>>) dst(%dma_wait3A_274 : memref<256x64xf32, #tpu.memory_space<hbm>>)
      %add3A_275 = arith.constant 2 : i32
      %add3A_276 = arith.addi %add3A_254, %add3A_275 : i32
      %mul3A_277 = arith.constant 256 : i32
      %mul3A_278 = arith.muli %add3A_276, %mul3A_277 : i32
      %add3A_279 = arith.constant 0 : i32
      %add3A_280 = arith.addi %mul3A_278, %add3A_279 : i32
      %multiple_of3A_281 = tpu.assume_multiple %add3A_280, 128 : i32
      %dma_start3A_282 = arith.constant 0 : i32
      %dma_start3A_283 = arith.constant 0 : i32
      %dma_start3A_284 = tpu.memref_slice %arg8[%dma_start3A_282, %dma_start3A_283] : memref<256x64xf32, #tpu.memory_space<vmem>> -> memref<128x64xf32, #tpu.memory_space<vmem>>
      %dma_start3A_285 = tpu.memref_slice %arg5[%multiple_of3A_281] : memref<25600xi32, #tpu.memory_space<vmem>> -> memref<128xi32, #tpu.memory_space<vmem>>
      %dma_start3A_286 = arith.constant 0 : i32
      %dma_start3A_287 = arith.constant 0 : i32
      %dma_start3A_288 = tpu.memref_slice %arg3[%dma_start3A_286, %dma_start3A_287] : memref<1000000x64xf32, #tpu.memory_space<hbm>> -> memref<1000000x64xf32, #tpu.memory_space<hbm>>
      tpu.enqueue_indirect_dma source(%dma_start3A_288 : memref<1000000x64xf32, #tpu.memory_space<hbm>>) target(%dma_start3A_284 : memref<128x64xf32, #tpu.memory_space<vmem>>) offsets(%dma_start3A_285 : memref<128xi32, #tpu.memory_space<vmem>>) semaphore(%arg12 : memref<!tpu.dma_semaphore, #tpu.memory_space<semaphore_mem>>)
      %mul3A_289 = arith.constant 256 : i32
      %mul3A_290 = arith.muli %add3A_276, %mul3A_289 : i32
      %add3A_291 = arith.constant 128 : i32
      %add3A_292 = arith.addi %mul3A_290, %add3A_291 : i32
      %multiple_of3A_293 = tpu.assume_multiple %add3A_292, 128 : i32
      %dma_start3A_294 = arith.constant 128 : i32
      %dma_start3A_295 = arith.constant 0 : i32
      %dma_start3A_296 = tpu.memref_slice %arg8[%dma_start3A_294, %dma_start3A_295] : memref<256x64xf32, #tpu.memory_space<vmem>> -> memref<128x64xf32, #tpu.memory_space<vmem>>
      %dma_start3A_297 = tpu.memref_slice %arg5[%multiple_of3A_293] : memref<25600xi32, #tpu.memory_space<vmem>> -> memref<128xi32, #tpu.memory_space<vmem>>
      %dma_start3A_298 = arith.constant 0 : i32
      %dma_start3A_299 = arith.constant 0 : i32
      %dma_start3A_300 = tpu.memref_slice %arg3[%dma_start3A_298, %dma_start3A_299] : memref<1000000x64xf32, #tpu.memory_space<hbm>> -> memref<1000000x64xf32, #tpu.memory_space<hbm>>
      tpu.enqueue_indirect_dma source(%dma_start3A_300 : memref<1000000x64xf32, #tpu.memory_space<hbm>>) target(%dma_start3A_296 : memref<128x64xf32, #tpu.memory_space<vmem>>) offsets(%dma_start3A_297 : memref<128xi32, #tpu.memory_space<vmem>>) semaphore(%arg12 : memref<!tpu.dma_semaphore, #tpu.memory_space<semaphore_mem>>)
      %add3A_301 = arith.constant 3 : i32
      %add3A_302 = arith.addi %add3A_156, %add3A_301 : i32
      %dma_wait3A_303 = arith.constant 0 : i32
      %dma_wait3A_304 = arith.constant 0 : i32
      %dma_wait3A_305 = tpu.memref_slice %arg3[%dma_wait3A_303, %dma_wait3A_304] : memref<1000000x64xf32, #tpu.memory_space<hbm>> -> memref<256x64xf32, #tpu.memory_space<hbm>>
      %dma_wait3A_306 = arith.constant 0 : i32
      %dma_wait3A_307 = arith.constant 0 : i32
      %dma_wait3A_308 = tpu.memref_slice %arg3[%dma_wait3A_306, %dma_wait3A_307] : memref<1000000x64xf32, #tpu.memory_space<hbm>> -> memref<256x64xf32, #tpu.memory_space<hbm>>
      tpu.wait_dma2 semaphore(%arg11 : memref<!tpu.dma_semaphore, #tpu.memory_space<semaphore_mem>>) src(%dma_wait3A_308 : memref<256x64xf32, #tpu.memory_space<hbm>>) dst(%arg7 : memref<256x64xf32, #tpu.memory_space<vmem>>)
      %mul3A_309 = arith.constant 256 : i32
      %mul3A_310 = arith.muli %add3A_302, %mul3A_309 : i32
      %add3A_311 = arith.addi %mul3A_2, %mul3A_310 : i32
      %multiple_of3A_312 = tpu.assume_multiple %add3A_311, 128 : i32
      %dma_start3A_313 = arith.constant 0 : i32
      %dma_start3A_314 = tpu.memref_slice %arg4[%multiple_of3A_312, %dma_start3A_313] : memref<819200x64xf32, #tpu.memory_space<hbm>> -> memref<256x64xf32, #tpu.memory_space<hbm>>
      %dma_start3A_315 = arith.constant 0 : i32
      %dma_start3A_316 = tpu.memref_slice %arg4[%multiple_of3A_312, %dma_start3A_315] : memref<819200x64xf32, #tpu.memory_space<hbm>> -> memref<256x64xf32, #tpu.memory_space<hbm>>
      tpu.enqueue_dma source(%arg7 : memref<256x64xf32, #tpu.memory_space<vmem>>) target(%dma_start3A_316 : memref<256x64xf32, #tpu.memory_space<hbm>>) target_semaphore(%arg15 : memref<!tpu.dma_semaphore, #tpu.memory_space<semaphore_mem>>)
      %dma_wait3A_317 = arith.constant 0 : i32
      %dma_wait3A_318 = arith.constant 0 : i32
      %dma_wait3A_319 = tpu.memref_slice %arg4[%dma_wait3A_317, %dma_wait3A_318] : memref<819200x64xf32, #tpu.memory_space<hbm>> -> memref<256x64xf32, #tpu.memory_space<hbm>>
      %dma_wait3A_320 = arith.constant 0 : i32
      %dma_wait3A_321 = arith.constant 0 : i32
      %dma_wait3A_322 = tpu.memref_slice %arg4[%dma_wait3A_320, %dma_wait3A_321] : memref<819200x64xf32, #tpu.memory_space<hbm>> -> memref<256x64xf32, #tpu.memory_space<hbm>>
      tpu.wait_dma2 semaphore(%arg17 : memref<!tpu.dma_semaphore, #tpu.memory_space<semaphore_mem>>) src(%arg9 : memref<256x64xf32, #tpu.memory_space<vmem>>) dst(%dma_wait3A_322 : memref<256x64xf32, #tpu.memory_space<hbm>>)
      %add3A_323 = arith.constant 2 : i32
      %add3A_324 = arith.addi %add3A_302, %add3A_323 : i32
      %mul3A_325 = arith.constant 256 : i32
      %mul3A_326 = arith.muli %add3A_324, %mul3A_325 : i32
      %add3A_327 = arith.constant 0 : i32
      %add3A_328 = arith.addi %mul3A_326, %add3A_327 : i32
      %multiple_of3A_329 = tpu.assume_multiple %add3A_328, 128 : i32
      %dma_start3A_330 = arith.constant 0 : i32
      %dma_start3A_331 = arith.constant 0 : i32
      %dma_start3A_332 = tpu.memref_slice %arg9[%dma_start3A_330, %dma_start3A_331] : memref<256x64xf32, #tpu.memory_space<vmem>> -> memref<128x64xf32, #tpu.memory_space<vmem>>
      %dma_start3A_333 = tpu.memref_slice %arg5[%multiple_of3A_329] : memref<25600xi32, #tpu.memory_space<vmem>> -> memref<128xi32, #tpu.memory_space<vmem>>
      %dma_start3A_334 = arith.constant 0 : i32
      %dma_start3A_335 = arith.constant 0 : i32
      %dma_start3A_336 = tpu.memref_slice %arg3[%dma_start3A_334, %dma_start3A_335] : memref<1000000x64xf32, #tpu.memory_space<hbm>> -> memref<1000000x64xf32, #tpu.memory_space<hbm>>
      tpu.enqueue_indirect_dma source(%dma_start3A_336 : memref<1000000x64xf32, #tpu.memory_space<hbm>>) target(%dma_start3A_332 : memref<128x64xf32, #tpu.memory_space<vmem>>) offsets(%dma_start3A_333 : memref<128xi32, #tpu.memory_space<vmem>>) semaphore(%arg13 : memref<!tpu.dma_semaphore, #tpu.memory_space<semaphore_mem>>)
      %mul3A_337 = arith.constant 256 : i32
      %mul3A_338 = arith.muli %add3A_324, %mul3A_337 : i32
      %add3A_339 = arith.constant 128 : i32
      %add3A_340 = arith.addi %mul3A_338, %add3A_339 : i32
      %multiple_of3A_341 = tpu.assume_multiple %add3A_340, 128 : i32
      %dma_start3A_342 = arith.constant 128 : i32
      %dma_start3A_343 = arith.constant 0 : i32
      %dma_start3A_344 = tpu.memref_slice %arg9[%dma_start3A_342, %dma_start3A_343] : memref<256x64xf32, #tpu.memory_space<vmem>> -> memref<128x64xf32, #tpu.memory_space<vmem>>
      %dma_start3A_345 = tpu.memref_slice %arg5[%multiple_of3A_341] : memref<25600xi32, #tpu.memory_space<vmem>> -> memref<128xi32, #tpu.memory_space<vmem>>
      %dma_start3A_346 = arith.constant 0 : i32
      %dma_start3A_347 = arith.constant 0 : i32
      %dma_start3A_348 = tpu.memref_slice %arg3[%dma_start3A_346, %dma_start3A_347] : memref<1000000x64xf32, #tpu.memory_space<hbm>> -> memref<1000000x64xf32, #tpu.memory_space<hbm>>
      tpu.enqueue_indirect_dma source(%dma_start3A_348 : memref<1000000x64xf32, #tpu.memory_space<hbm>>) target(%dma_start3A_344 : memref<128x64xf32, #tpu.memory_space<vmem>>) offsets(%dma_start3A_345 : memref<128xi32, #tpu.memory_space<vmem>>) semaphore(%arg13 : memref<!tpu.dma_semaphore, #tpu.memory_space<semaphore_mem>>)
    }
    %scan3A_101 = arith.constant 24 : i32
    %dma_wait3A_102 = arith.constant 0 : i32
    %dma_wait3A_103 = arith.constant 0 : i32
    %dma_wait3A_104 = tpu.memref_slice %arg3[%dma_wait3A_102, %dma_wait3A_103] : memref<1000000x64xf32, #tpu.memory_space<hbm>> -> memref<256x64xf32, #tpu.memory_space<hbm>>
    %dma_wait3A_105 = arith.constant 0 : i32
    %dma_wait3A_106 = arith.constant 0 : i32
    %dma_wait3A_107 = tpu.memref_slice %arg3[%dma_wait3A_105, %dma_wait3A_106] : memref<1000000x64xf32, #tpu.memory_space<hbm>> -> memref<256x64xf32, #tpu.memory_space<hbm>>
    tpu.wait_dma2 semaphore(%arg12 : memref<!tpu.dma_semaphore, #tpu.memory_space<semaphore_mem>>) src(%dma_wait3A_107 : memref<256x64xf32, #tpu.memory_space<hbm>>) dst(%arg8 : memref<256x64xf32, #tpu.memory_space<vmem>>)
    %add3A_108 = arith.constant 25088 : i32
    %add3A_109 = arith.addi %mul3A_2, %add3A_108 : i32
    %multiple_of3A_110 = tpu.assume_multiple %add3A_109, 128 : i32
    %dma_start3A_111 = arith.constant 0 : i32
    %dma_start3A_112 = tpu.memref_slice %arg4[%multiple_of3A_110, %dma_start3A_111] : memref<819200x64xf32, #tpu.memory_space<hbm>> -> memref<256x64xf32, #tpu.memory_space<hbm>>
    %dma_start3A_113 = arith.constant 0 : i32
    %dma_start3A_114 = tpu.memref_slice %arg4[%multiple_of3A_110, %dma_start3A_113] : memref<819200x64xf32, #tpu.memory_space<hbm>> -> memref<256x64xf32, #tpu.memory_space<hbm>>
    tpu.enqueue_dma source(%arg8 : memref<256x64xf32, #tpu.memory_space<vmem>>) target(%dma_start3A_114 : memref<256x64xf32, #tpu.memory_space<hbm>>) target_semaphore(%arg16 : memref<!tpu.dma_semaphore, #tpu.memory_space<semaphore_mem>>)
    %dma_wait3A_115 = arith.constant 0 : i32
    %dma_wait3A_116 = arith.constant 0 : i32
    %dma_wait3A_117 = tpu.memref_slice %arg4[%dma_wait3A_115, %dma_wait3A_116] : memref<819200x64xf32, #tpu.memory_space<hbm>> -> memref<256x64xf32, #tpu.memory_space<hbm>>
    %dma_wait3A_118 = arith.constant 0 : i32
    %dma_wait3A_119 = arith.constant 0 : i32
    %dma_wait3A_120 = tpu.memref_slice %arg4[%dma_wait3A_118, %dma_wait3A_119] : memref<819200x64xf32, #tpu.memory_space<hbm>> -> memref<256x64xf32, #tpu.memory_space<hbm>>
    tpu.wait_dma2 semaphore(%arg14 : memref<!tpu.dma_semaphore, #tpu.memory_space<semaphore_mem>>) src(%arg6 : memref<256x64xf32, #tpu.memory_space<vmem>>) dst(%dma_wait3A_120 : memref<256x64xf32, #tpu.memory_space<hbm>>)
    %dma_wait3A_121 = arith.constant 0 : i32
    %dma_wait3A_122 = arith.constant 0 : i32
    %dma_wait3A_123 = tpu.memref_slice %arg3[%dma_wait3A_121, %dma_wait3A_122] : memref<1000000x64xf32, #tpu.memory_space<hbm>> -> memref<256x64xf32, #tpu.memory_space<hbm>>
    %dma_wait3A_124 = arith.constant 0 : i32
    %dma_wait3A_125 = arith.constant 0 : i32
    %dma_wait3A_126 = tpu.memref_slice %arg3[%dma_wait3A_124, %dma_wait3A_125] : memref<1000000x64xf32, #tpu.memory_space<hbm>> -> memref<256x64xf32, #tpu.memory_space<hbm>>
    tpu.wait_dma2 semaphore(%arg13 : memref<!tpu.dma_semaphore, #tpu.memory_space<semaphore_mem>>) src(%dma_wait3A_126 : memref<256x64xf32, #tpu.memory_space<hbm>>) dst(%arg9 : memref<256x64xf32, #tpu.memory_space<vmem>>)
    %add3A_127 = arith.constant 25344 : i32
    %add3A_128 = arith.addi %mul3A_2, %add3A_127 : i32
    %multiple_of3A_129 = tpu.assume_multiple %add3A_128, 128 : i32
    %dma_start3A_130 = arith.constant 0 : i32
    %dma_start3A_131 = tpu.memref_slice %arg4[%multiple_of3A_129, %dma_start3A_130] : memref<819200x64xf32, #tpu.memory_space<hbm>> -> memref<256x64xf32, #tpu.memory_space<hbm>>
    %dma_start3A_132 = arith.constant 0 : i32
    %dma_start3A_133 = tpu.memref_slice %arg4[%multiple_of3A_129, %dma_start3A_132] : memref<819200x64xf32, #tpu.memory_space<hbm>> -> memref<256x64xf32, #tpu.memory_space<hbm>>
    tpu.enqueue_dma source(%arg9 : memref<256x64xf32, #tpu.memory_space<vmem>>) target(%dma_start3A_133 : memref<256x64xf32, #tpu.memory_space<hbm>>) target_semaphore(%arg17 : memref<!tpu.dma_semaphore, #tpu.memory_space<semaphore_mem>>)
    %dma_wait3A_134 = arith.constant 0 : i32
    %dma_wait3A_135 = arith.constant 0 : i32
    %dma_wait3A_136 = tpu.memref_slice %arg4[%dma_wait3A_134, %dma_wait3A_135] : memref<819200x64xf32, #tpu.memory_space<hbm>> -> memref<256x64xf32, #tpu.memory_space<hbm>>
    %dma_wait3A_137 = arith.constant 0 : i32
    %dma_wait3A_138 = arith.constant 0 : i32
    %dma_wait3A_139 = tpu.memref_slice %arg4[%dma_wait3A_137, %dma_wait3A_138] : memref<819200x64xf32, #tpu.memory_space<hbm>> -> memref<256x64xf32, #tpu.memory_space<hbm>>
    tpu.wait_dma2 semaphore(%arg15 : memref<!tpu.dma_semaphore, #tpu.memory_space<semaphore_mem>>) src(%arg7 : memref<256x64xf32, #tpu.memory_space<vmem>>) dst(%dma_wait3A_139 : memref<256x64xf32, #tpu.memory_space<hbm>>)
    %dma_wait3A_140 = arith.constant 0 : i32
    %dma_wait3A_141 = arith.constant 0 : i32
    %dma_wait3A_142 = tpu.memref_slice %arg4[%dma_wait3A_140, %dma_wait3A_141] : memref<819200x64xf32, #tpu.memory_space<hbm>> -> memref<256x64xf32, #tpu.memory_space<hbm>>
    %dma_wait3A_143 = arith.constant 0 : i32
    %dma_wait3A_144 = arith.constant 0 : i32
    %dma_wait3A_145 = tpu.memref_slice %arg4[%dma_wait3A_143, %dma_wait3A_144] : memref<819200x64xf32, #tpu.memory_space<hbm>> -> memref<256x64xf32, #tpu.memory_space<hbm>>
    tpu.wait_dma2 semaphore(%arg16 : memref<!tpu.dma_semaphore, #tpu.memory_space<semaphore_mem>>) src(%arg8 : memref<256x64xf32, #tpu.memory_space<vmem>>) dst(%dma_wait3A_145 : memref<256x64xf32, #tpu.memory_space<hbm>>)
    %dma_wait3A_146 = arith.constant 0 : i32
    %dma_wait3A_147 = arith.constant 0 : i32
    %dma_wait3A_148 = tpu.memref_slice %arg4[%dma_wait3A_146, %dma_wait3A_147] : memref<819200x64xf32, #tpu.memory_space<hbm>> -> memref<256x64xf32, #tpu.memory_space<hbm>>
    %dma_wait3A_149 = arith.constant 0 : i32
    %dma_wait3A_150 = arith.constant 0 : i32
    %dma_wait3A_151 = tpu.memref_slice %arg4[%dma_wait3A_149, %dma_wait3A_150] : memref<819200x64xf32, #tpu.memory_space<hbm>> -> memref<256x64xf32, #tpu.memory_space<hbm>>
    tpu.wait_dma2 semaphore(%arg17 : memref<!tpu.dma_semaphore, #tpu.memory_space<semaphore_mem>>) src(%arg9 : memref<256x64xf32, #tpu.memory_space<vmem>>) dst(%dma_wait3A_151 : memref<256x64xf32, #tpu.memory_space<hbm>>)
    return
  }
}

</mosaic_0001>

<sc_bundles>
// kernel: kernel.3.cloned.1.call-start
scs
__scs_entry_jumppad:
0x0: {  	(pc) =	sbr.rel $0x88, $3  }
0x1: {  	(tag) =	ssettag $0x0;
	lr =	simm.s32 $0x1  }
0x2: {  	[smem:$0x3F9F] =	sst lr;
	_ =	strace $0xD0000000  }
0x3: {  	_ = 	snop  }
0x4: {  	_ = 	snop  }
0x5: {  	_ = 	snop  }
0x6: {  	_ = 	snop  }
0x7: {  	_ = 	snop  }
__scs_overlays_trampoline_lowered:
0x8: {  	[smem:$0x3FAE] =	sst s0  }
0x9: {  	[smem:$0x3FAF] =	sst s1  }
0xa: {  	[smem:$0x3FB0] =	sst s2  }
0xb: {  	[smem:$0x3FB1] =	sst s3  }
0xc: {  	[smem:$0x3FB2] =	sst s4  }
0xd: {  	[smem:$0x3FB3] =	sst s5  }
0xe: {  	[smem:$0x3FB4] =	sst s6  }
0xf: {  	[smem:$0x3FB5] =	sst s7  }
0x10: {  	[smem:$0x3FB6] =	sst s8  }
0x11: {  	[smem:$0x3FB7] =	sst s9;
	s0 =	simm.s32 @!p0 $0x0  }
0x12: {  	s1 =	sld [smem:$0x3F9D];
	s0 =	simm.s32 @p0 $0x1  }
0x13: {  	[smem:$0x3FB8] =	sst s0;
	s0 =	simm.s32 @!p1 $0x0  }
0x14: {  	s2 =	sld [smem:$0x3F9C];
	s0 =	simm.s32 @p1 $0x1  }
0x15: {  	[smem:$0x3FB9] =	sst s0;
	s0 =	simm.s32 @!p2 $0x0  }
0x16: {  	s3 =	sld [smem:$0x3FDB];
	s0 =	simm.s32 @p2 $0x1  }
0x17: {  	s4 =	simm.s32 $0x1BF5;
	[smem:$0x3FBB] =	sst s0  }
0x18: {  	s0 =	sld [smem:$0x3F9E];
	_ =	swait.ge [sflag:s4], $0x0  }
0x19: {  	s7 =	sld [smem:$0x3F9F]  }
0x1a: {  	s8 =	sadd.s32 $0xFFFFE003, lr  }
0x1b: {  	s9 =	sadd.s32 $0xFFFFFEF7, lr;
	s5 =	simm.s32 $0xFFFFFFFF;
	p2 =	slt.u32 s8, $0xFFFFF086  }
0x1c: {  	p1 =	slt.u32 s9, $0xF7A;
	s5 =	simm.s32 @!p2 $0x0  }
0x1d: {  	s5 =	simm.s32 @p1 $0x1;
	p0 =	seq.s32 s7, s2  }
0x1e: {  	s7 =	smul.u32 @!p0 $0xF7A, s2;
	p2 =	seq.s32 @!p0 s5, $0x0  }
0x1f: {  	s9 =	smul.u32 $0xF7A, s1;
	s8 =	simm.s32 @!p0 $0x1BF5;
	p2 =	por !p2, p0  }
0x20: {  	[sflag:s8] =	ssyncset.s32 @!p0 $0xFFFFF086;
	s6 =	sadd.s32 @!p0 s3, s7;
	s7 =	simm.s32 @!p0 $0x108  }
0x21: {  	s3 =	sadd.s32 s3, s9;
	s6 =	sadd.s32 @!p0 $0x88, s6;
	s7 =	simm.s32 @p2 $0x1082  }
0x22: {  	[simem:s7], [sflag:s8] =	dma.local @!p0 [hbm:s6], $0xF7A  }
0x23: {  	s9 =	sor.u32 $0xD0000000, s2;
	s6 =	simm.s32 $0x108;
	_ =	swait.ge @!p0 [sflag:s8], $0x0  }
0x24: {  	s3 =	sadd.s32 $0x88, s3;
	s6 =	simm.s32 @!p1 $0x1082;
	[sflag:s4] =	ssyncset.s32 $0xFFFFF086  }
0x25: {  	[simem:s6], [sflag:s4] =	dma.local [hbm:s3], $0xF7A  }
0x26: {  	[smem:$0x3F9F] =	sst s1;
	(tag) =	ssettag s2;
	_ =	strace s9  }
0x27: {  	s1 =	sld [smem:$0x3FAF]  }
0x28: {  	s2 =	sld [smem:$0x3FB0]  }
0x29: {  	s4 =	sld [smem:$0x3FB2]  }
0x2a: {  	p0 =	seq.s32 s5, $0x0;
	s5 =	sld [smem:$0x3FB3]  }
0x2b: {  	s6 =	sld [smem:$0x3FB4]  }
0x2c: {  	s7 =	sld [smem:$0x3FB5]  }
0x2d: {  	s3 =	simm.s32 $0x108;
	s8 =	sld [smem:$0x3FB6]  }
0x2e: {  	s3 =	simm.s32 @!p0 $0x1082;
	s9 =	sld [smem:$0x3FB7]  }
0x2f: {  	lr =	sadd.s32 s0, s3;
	s0 =	sld [smem:$0x3FAE]  }
0x30: {  	s3 =	sld [smem:$0x3FB1]  }
0x31: {  	[smem:$0x3FBA] =	sst s10  }
0x32: {  	s10 =	sld [smem:$0x3FB8];
	_ =	sdelay $0x3  }
0x33: {  	p0 =	seq.s32 s10, $0x1;
	s10 =	sld [smem:$0x3FBA];
	_ =	sdelay $0x3  }
0x34: {  	[smem:$0x3FBA] =	sst s10  }
0x35: {  	s10 =	sld [smem:$0x3FB9];
	_ =	sdelay $0x3  }
0x36: {  	p1 =	seq.s32 s10, $0x1;
	s10 =	sld [smem:$0x3FBA];
	_ =	sdelay $0x3  }
0x37: {  	[smem:$0x3FBA] =	sst s10  }
0x38: {  	s10 =	sld [smem:$0x3FBB]  }
0x39: {  	_ = 	snop;
	(pc) =	sbr.ind lr, $3  }
0x3a: {  	_ = 	snop  }
0x3b: {  	_ = 	snop  }
0x3c: {  	p2 =	seq.s32 s10, $0x1;
	s10 =	sld [smem:$0x3FBA]  }
0x3d: {  	_ =	shalt  }
0x3e: {  	_ =	shalt  }
0x3f: {  	_ =	shalt  }
0x40: {  	_ =	shalt  }
0x41: {  	_ =	shalt  }
0x42: {  	_ =	shalt  }
0x43: {  	_ =	shalt  }
0x44: {  	_ =	shalt  }
0x45: {  	_ =	shalt  }
0x46: {  	_ =	shalt  }
0x47: {  	_ =	shalt  }
0x48: {  	_ =	shalt  }
0x49: {  	_ =	shalt  }
0x4a: {  	_ =	shalt  }
0x4b: {  	_ =	shalt  }
0x4c: {  	_ =	shalt  }
0x4d: {  	_ =	shalt  }
0x4e: {  	_ =	shalt  }
0x4f: {  	_ =	shalt  }
0x50: {  	_ =	shalt  }
0x51: {  	_ =	shalt  }
0x52: {  	_ =	shalt  }
0x53: {  	_ =	shalt  }
0x54: {  	_ =	shalt  }
0x55: {  	_ =	shalt  }
0x56: {  	_ =	shalt  }
0x57: {  	_ =	shalt  }
0x58: {  	_ =	shalt  }
0x59: {  	_ =	shalt  }
0x5a: {  	_ =	shalt  }
0x5b: {  	_ =	shalt  }
0x5c: {  	_ =	shalt  }
0x5d: {  	_ =	shalt  }
0x5e: {  	_ =	shalt  }
0x5f: {  	_ =	shalt  }
0x60: {  	_ =	shalt  }
0x61: {  	_ =	shalt  }
0x62: {  	_ =	shalt  }
0x63: {  	_ =	shalt  }
0x64: {  	_ =	shalt  }
0x65: {  	_ =	shalt  }
0x66: {  	_ =	shalt  }
0x67: {  	_ =	shalt  }
0x68: {  	_ =	shalt  }
0x69: {  	_ =	shalt  }
0x6a: {  	_ =	shalt  }
0x6b: {  	_ =	shalt  }
0x6c: {  	_ =	shalt  }
0x6d: {  	_ =	shalt  }
0x6e: {  	_ =	shalt  }
0x6f: {  	_ =	shalt  }
0x70: {  	_ =	shalt  }
0x71: {  	_ =	shalt  }
0x72: {  	_ =	shalt  }
0x73: {  	_ =	shalt  }
0x74: {  	_ =	shalt  }
0x75: {  	_ =	shalt  }
0x76: {  	_ =	shalt  }
0x77: {  	_ =	shalt  }
0x78: {  	_ =	shalt  }
0x79: {  	_ =	shalt  }
0x7a: {  	_ =	shalt  }
0x7b: {  	_ =	shalt  }
0x7c: {  	_ =	shalt  }
0x7d: {  	_ =	shalt  }
0x7e: {  	_ =	shalt  }
0x7f: {  	_ =	shalt  }
0x80: {  	_ =	shalt  }
0x81: {  	_ =	shalt  }
0x82: {  	_ =	shalt  }
0x83: {  	_ =	shalt  }
0x84: {  	_ =	shalt  }
0x85: {  	_ =	shalt  }
0x86: {  	_ =	shalt  }
0x87: {  	_ =	shalt  }
.Lfunc_end0:
.L_simem_size_0:
called_computation.1_lowered:
.L_overlay_start_0:
0x88: {  	s2 =	sld [smem:$0x3FD9]  }
0x89: {  	s3 =	sld [smem:$0x3FFE];
	_ =	sdelay $0x1  }
0x8a: {  	s1 =	srdreg.scid  }
0x8b: {  	s0 =	sand.u32 $0x1, s1  }
0x8c: {  	s17 =	sshll.u32 s0, $0xA;
	s2 =	sadd.s32 s3, s2  }
0x8d: {  	s2 =	sadd.s32 s2, s17  }
0x8e: {  	[smem:$0x3FC6] =	sst s2  }
0x8f: {  	_ = 	snop  }
0x90: {  	s2 =	sld [smem:$0x3FD0];
	(tm) =	ssettm $0x1  }
0x91: {  	s18 =	sld [smem:$0x3FFB];
	_ =	sdelay $0x3  }
0x92: {  	_ =	strace s18  }
0x93: {  	s3 =	sld [smem:$0x3FFC];
	_ =	sdelay $0x3  }
0x94: {  	_ =	strace s3  }
0x95: {  	s3 =	sld [smem:$0x3FFD];
	_ =	sdelay $0x3  }
0x96: {  	_ =	strace s3  }
0x97: {  	_ =	strace $0x8FFFFFFF  }
0x98: {  	s19 =	sld [smem:$0x3FDB];
	_ =	sdelay $0x1  }
0x99: {  	s4 =	simm.s32 $_scs_section_size  }
0x9a: {  	s5 =	simm.s32 $_size__tile_overlayer_lowered;
	s6 =	simm.s32 $_tile_overlayer_lowered  }
0x9b: {  	s22 =	simm.s32 $0x1BFF;
	s21 =	sshll.u32 s6, $0x1;
	s3 =	sadd.s32 s4, s19  }
0x9c: {  	s7 =	simm.s32 $0x0;
	s20 =	sshll.u32 s5, $0x1;
	s5 =	sadd.s32 s21, s3  }
0x9d: {  	[timem:s7], [sflag:s22] =	dma.local [hbm:s5], s20  }
0x9e: {  	_ =	swait.ge [sflag:s22], s20  }
0x9f: {  	s4 =	ssub.s32 $0x0, s20;
	[sflag:s22] =	ssyncset.done $0x0  }
0xa0: {  	[sflag:s22] =	ssyncadd.s32 s4;
	_ =	sdelay $0x1  }
0xa1: {  	s23 =	simm.s32 $0x1B8B  }
0xa2: {  	_ =	swait.ge [sflag:s23], $0x1  }
0xa3: {  	[sflag:s23] =	ssyncset.done $0x0  }
0xa4: {  	s25 =	simm.s32 $0x1B8E;
	s24 =	sld [smem:$0x3FFE];
	[sflag:s23] =	ssyncadd.s32 $0xFFFFFFFF  }
0xa5: {  	s26 =	simm.s32 $execute0_lowered;
	[smem:$0x3FD2] =	sst s25  }
0xa6: {  	s5 =	sshll.u32 s26, $0x1;
	_ =	strace $0x80000046;
	[dreg:$0x1] =	wrdreg $0xFFFFFFFF  }
0xa7: {  	s28 =	simm.s32 $_size_execute0_lowered;
	s3 =	sadd.s32 s3, s5;
	[dreg:$0x0] =	wrdreg $0x0  }
0xa8: {  	s5 =	sshll.u32 s28, $0x1;
	[dreg:$0x2] =	wrdreg s3  }
0xa9: {  	[dreg:$0x3] =	wrdreg s5  }
0xaa: {  	[dreg:$0x4] =	wrdreg $0xC0  }
0xab: {  	_ =	task [dreg:s7], $0x5FFFF  }
0xac: {  	[dreg:$0x1] =	wrdreg $0xFFFFFFFF  }
0xad: {  	[dreg:$0x0] =	wrdreg $0x60  }
0xae: {  	[dreg:$0x2] =	wrdreg s24  }
0xaf: {  	[dreg:$0x3] =	wrdreg s2  }
0xb0: {  	[dreg:$0x4] =	wrdreg $0x9  }
0xb1: {  	_ =	task.clear_ibuf [dreg:s7], $0x5FFFF;
	_ =	strace $0x90000046  }
0xb2: {  	s29 =	simm.s32 $0x9;
	_ =	strace $0x80000048  }
0xb3: {  	_ =	swait.ge [sflag:s29], $0x1  }
0xb4: {  	[sflag:s29] =	ssyncadd.s32 $0xFFFFFFFF  }
0xb5: {  	_ =	strace $0x90000048  }
0xb6: {  	_ =	sfence  }
0xb7: {  	s30 =	sld [smem:$0x0];
	_ =	sdelay $0x2  }
0xb8: {  	s31 =	sshll.u32 s1, $0xD;
	s1 =	sshrl.u32 s1, $0x2  }
0xb9: {  	s3 =	sand.u32 $0x4000, s31;
	s1 =	sadd.s32 s1, s30  }
0xba: {  	s0 =	sor.u32 s3, s0;
	s1 =	sshll.u32 s1, $0x11  }
0xbb: {  	s0 =	sor.u32 s1, s0  }
0xbc: {  	s0 =	sadd.s32 $0x8F2B, s0  }
0xbd: {  	[sflag:s0] =	ssyncadd.remote.s32 $0x1  }
0xbe: {  	_ =	sfence.sel $0xFFFF  }
0xbf: {  	[dreg:$0x0] =	wrdreg $0xFFFFFFFF;
	(pc) =	sbr.abs _section_cstart, $3  }
0xc0: {  	[dreg:$0x1] =	wrdreg $0xFFFFFFFF  }
0xc1: {  	_ =	task.clear_ibuf [dreg:s7], $0x2FFFF;
	_ =	strace $0x9FFFFFFF  }
0xc2: {  	(tm) =	ssettm $0x7FFFFFFF  }
0xc3: {  	_ =	shalt  }
tec
execute0_lowered:
.L_overlay_start_1:
0x0: {  	(tag) =	ssettag $0x1  }
0x1: {  	s0 =	srdreg.scid  }
0x2: {  	s8 =	stileid.u32;
	s1 =	rddreg [dreg:$0x0]  }
0x3: {  	s4 =	rddreg [dreg:$0x1];
	s15 =	simm.s32 $0x80;
	s16 =	simm.s32 $0x6400  }
0x4: {  	s17 =	simm.s32 $0x8400;
	s19 =	simm.s32 $0xA400;
	s28 =	simm.s32 $0x2  }
0x5: {  	s30 =	simm.s32 $0x12400;
	s18 =	simm.s32 $0x5;
	s20 =	simm.s32 $0x4  }
0x6: {  	s0 =	sand.u32 $0x1, s0;
	s2 =	sshll.u32 s8, $0x1;
	s8 =	smul.u32 $0xC800, s8  }
0x7: {  	s3 =	sor.u32 s0, s2;
	s22 =	ssub.s32 $0x2, s0;
	s0 =	smul.u32 $0x6400, s0  }
0x8: {  	s29 =	simm.s32 $0x8;
	s2 =	simm.s32 $0x0;
	s5 =	smul.u32 $0x6400, s3  }
0x9: {  	s31 =	simm.s32 $0x0;
	[smem:$0x7FF] =	sst s2;
	s6 =	smul.u32 $0x32000, s3  }
0xa: {  	s7 =	smul.u32 $0x190000, s3;
	s10 =	sshrl.u32 s22, $0x1;
	s3 =	sadd.s32 $0xF42E00, s1  }
0xb: {  	_ =	strace $0x80000047;
	s23 =	ssub.s32 s22, s10;
	s0 =	sadd.s32 s0, s8  }
0xc: {  	s22 =	simm.s32 $0x1;
	s21 =	sshrl.u32 s5, $0x3;
	s6 =	sadd.s32 s4, s6  }
0xd: {  	s25 =	sshrl.u32 s7, $0x3;
	s0 =	sshll.u32 s0, $0x3;
	s9 =	sadd.s32 s21, s1  }
0xe: {  	[dreg:$0x4] =	wrdreg s6;
	s6 =	sadd.s32 $0x800, s6;
	s5 =	sadd.s32 s4, s25  }
0xf: {  	s0 =	sadd.s32 s4, s0;
	s1 =	smax.u32 s23, $0x1;
	s21 =	simm.s32 $0xC400  }
0x10: {  	s23 =	simm.s32 $0x6;
	s25 =	simm.s32 $0x7;
	s24 =	sadd.s32 $0xA00, s9  }
0x11: {  	[dreg:$0x5] =	wrdreg s6;
	s26 =	sadd.s32 $0x31000, s5;
	s5 =	sadd.s32 $0x31800, s5  }
0x12: {  	[dreg:$0x8] =	wrdreg s1;
	s10 =	sadd.s32 $0x1800, s0;
	s11 =	sadd.s32 $0x1000, s0  }
0x13: {  	s12 =	sadd.s32 $0x2800, s0;
	s13 =	sadd.s32 $0x2000, s0;
	[dreg:$0x3] =	wrdreg s24  }
0x14: {  	s1 =	simm.s32 $0x14400;
	s0 =	simm.s32 $0x3;
	[dreg:$0x6] =	wrdreg s26  }
0x15: {  	[dreg:$0x7] =	wrdreg s5;
	s24 =	simm.s32 $0xE400;
	s26 =	simm.s32 $0x10400  }
.LBB2_1:
0x16: {  	s4 =	rddreg [dreg:$0x3];
	s7 =	simm.s32 $0x9  }
0x17: {  	[tilespmem:s2], [sflag:$0x9] =	stream.linear.gather [hbm4b:s4+s2], $0x6400, $0x38;
	[tilespmem:$0x16400] =	vst v63  }
0x18: {  	_ =	swait.ge [sflag:s7], $0x6400  }
0x19: {  	[sflag:s7] =	ssyncset.done $0x0  }
0x1a: {  	[sflag:s7] =	ssyncadd.s32 $0xFFFF9C00  }
0x1b: {  	[tilespmem:s16], [sflag:$0x1] =	stream.indirect.gather [hbm4b:s3+s15], $0x40, s2, s15, $0xb8;
	[tilespmem:$0x16400] =	vst v63  }
0x1c: {  	_ = 	snop  }
0x1d: {  	[tilespmem:s17], [sflag:$0x1] =	stream.indirect.gather [hbm4b:s3+s15], $0x40, s15, s15, $0xb8;
	[tilespmem:$0x16400] =	vst v63  }
0x1e: {  	s8 =	simm.s32 $0x100  }
0x1f: {  	[tilespmem:s19], [sflag:$0x2] =	stream.indirect.gather [hbm4b:s3+s15], $0x40, s8, s15, $0xb8;
	[tilespmem:$0x16400] =	vst v63  }
0x20: {  	s9 =	simm.s32 $0x180  }
0x21: {  	[tilespmem:s21], [sflag:$0x2] =	stream.indirect.gather [hbm4b:s3+s15], $0x40, s9, s15, $0xb8;
	[tilespmem:$0x16400] =	vst v63  }
0x22: {  	_ =	swait.ge [sflag:s22], $0x4000  }
0x23: {  	[sflag:s22] =	ssyncset.done $0x0  }
0x24: {  	s14 =	rddreg [dreg:$0x4];
	[sflag:s22] =	ssyncadd.s32 $0xFFFFC000  }
0x25: {  	[hbm4b:s14+s2] =	stream.linear.scatter [tilespmem:s16], [sflag:$0x5], $0x4000, $0x38;
	[tilespmem:$0x16400] =	vst v63  }
0x26: {  	s5 =	simm.s32 $0x200  }
0x27: {  	[tilespmem:s24], [sflag:$0x3] =	stream.indirect.gather [hbm4b:s3+s15], $0x40, s5, s15, $0xb8;
	[tilespmem:$0x16400] =	vst v63  }
0x28: {  	s6 =	simm.s32 $0x280  }
0x29: {  	[tilespmem:s26], [sflag:$0x3] =	stream.indirect.gather [hbm4b:s3+s15], $0x40, s6, s15, $0xb8;
	[tilespmem:$0x16400] =	vst v63  }
0x2a: {  	_ =	swait.ge [sflag:s28], $0x4000  }
0x2b: {  	[sflag:s28] =	ssyncset.done $0x0  }
0x2c: {  	s7 =	rddreg [dreg:$0x5];
	[sflag:s28] =	ssyncadd.s32 $0xFFFFC000  }
0x2d: {  	[hbm4b:s7+s2] =	stream.linear.scatter [tilespmem:s19], [sflag:$0x6], $0x4000, $0x38;
	[tilespmem:$0x16400] =	vst v63  }
0x2e: {  	s8 =	simm.s32 $0x300  }
0x2f: {  	[tilespmem:s30], [sflag:$0x4] =	stream.indirect.gather [hbm4b:s3+s15], $0x40, s8, s15, $0xb8;
	[tilespmem:$0x16400] =	vst v63  }
0x30: {  	s9 =	simm.s32 $0x380  }
0x31: {  	[tilespmem:s1], [sflag:$0x4] =	stream.indirect.gather [hbm4b:s3+s15], $0x40, s9, s15, $0xb8;
	[tilespmem:$0x16400] =	vst v63  }
0x32: {  	_ =	swait.ge [sflag:s0], $0x4000  }
0x33: {  	[sflag:s0] =	ssyncset.done $0x0  }
0x34: {  	[sflag:s0] =	ssyncadd.s32 $0xFFFFC000  }
0x35: {  	[hbm4b:s11+s2] =	stream.linear.scatter [tilespmem:s24], [sflag:$0x7], $0x4000, $0x38;
	[tilespmem:$0x16400] =	vst v63  }
0x36: {  	_ =	swait.ge [sflag:s18], $0x4000  }
0x37: {  	[sflag:s18] =	ssyncset.done $0x0  }
0x38: {  	s14 =	simm.s32 $0x400;
	[sflag:s18] =	ssyncadd.s32 $0xFFFFC000  }
0x39: {  	[tilespmem:s16], [sflag:$0x1] =	stream.indirect.gather [hbm4b:s3+s15], $0x40, s14, s15, $0xb8;
	[tilespmem:$0x16400] =	vst v63  }
0x3a: {  	s5 =	simm.s32 $0x480  }
0x3b: {  	[tilespmem:s17], [sflag:$0x1] =	stream.indirect.gather [hbm4b:s3+s15], $0x40, s5, s15, $0xb8;
	[tilespmem:$0x16400] =	vst v63  }
0x3c: {  	_ =	swait.ge [sflag:s20], $0x4000  }
0x3d: {  	[sflag:s20] =	ssyncset.done $0x0  }
0x3e: {  	[sflag:s20] =	ssyncadd.s32 $0xFFFFC000  }
0x3f: {  	[hbm4b:s10+s2] =	stream.linear.scatter [tilespmem:s30], [sflag:$0x8], $0x4000, $0x38;
	[tilespmem:$0x16400] =	vst v63  }
0x40: {  	_ =	swait.ge [sflag:s23], $0x4000  }
0x41: {  	[sflag:s23] =	ssyncset.done $0x0  }
0x42: {  	s6 =	simm.s32 $0x500;
	[sflag:s23] =	ssyncadd.s32 $0xFFFFC000  }
0x43: {  	[tilespmem:s19], [sflag:$0x2] =	stream.indirect.gather [hbm4b:s3+s15], $0x40, s6, s15, $0xb8;
	[tilespmem:$0x16400] =	vst v63  }
0x44: {  	s7 =	simm.s32 $0x580  }
0x45: {  	[tilespmem:s21], [sflag:$0x2] =	stream.indirect.gather [hbm4b:s3+s15], $0x40, s7, s15, $0xb8;
	[tilespmem:$0x16400] =	vst v63  }
0x46: {  	_ =	swait.ge [sflag:s22], $0x4000  }
0x47: {  	[sflag:s22] =	ssyncset.done $0x0  }
0x48: {  	[sflag:s22] =	ssyncadd.s32 $0xFFFFC000  }
0x49: {  	[hbm4b:s13+s2] =	stream.linear.scatter [tilespmem:s16], [sflag:$0x5], $0x4000, $0x38;
	[tilespmem:$0x16400] =	vst v63  }
0x4a: {  	_ =	swait.ge [sflag:s25], $0x4000  }
0x4b: {  	[sflag:s25] =	ssyncset.done $0x0  }
0x4c: {  	s8 =	simm.s32 $0x600;
	[sflag:s25] =	ssyncadd.s32 $0xFFFFC000  }
0x4d: {  	[tilespmem:s24], [sflag:$0x3] =	stream.indirect.gather [hbm4b:s3+s15], $0x40, s8, s15, $0xb8;
	[tilespmem:$0x16400] =	vst v63  }
0x4e: {  	s9 =	simm.s32 $0x680  }
0x4f: {  	[tilespmem:s26], [sflag:$0x3] =	stream.indirect.gather [hbm4b:s3+s15], $0x40, s9, s15, $0xb8;
	[tilespmem:$0x16400] =	vst v63  }
0x50: {  	_ =	swait.ge [sflag:s28], $0x4000  }
0x51: {  	[sflag:s28] =	ssyncset.done $0x0  }
0x52: {  	s4 =	simm.s32 $0x1000;
	[sflag:s28] =	ssyncadd.s32 $0xFFFFC000  }
0x53: {  	[hbm4b:s12+s2] =	stream.linear.scatter [tilespmem:s19], [sflag:$0x6], $0x4000, $0x38;
	[tilespmem:$0x16400] =	vst v63  }
0x54: {  	s14 =	simm.s32 $0x700;
	s5 =	sadd.s32 $0x2000, s11;
	_ =	swait.ge [sflag:s29], $0x4000  }
0x55: {  	s6 =	sadd.s32 $0x2000, s13;
	s7 =	sadd.s32 $0x2000, s12;
	[sflag:s29] =	ssyncset.done $0x0  }
0x56: {  	s8 =	sadd.s32 $0x2000, s10;
	s9 =	simm.s32 $0x780;
	[sflag:s29] =	ssyncadd.s32 $0xFFFFC000  }
0x57: {  	[tilespmem:s30], [sflag:$0x4] =	stream.indirect.gather [hbm4b:s3+s15], $0x40, s14, s15, $0xb8;
	[tilespmem:$0x16400] =	vst v63  }
.LBB2_2:
0x58: {  	[tilespmem:s1], [sflag:$0x4] =	stream.indirect.gather [hbm4b:s3+s15], $0x40, s9, s15, $0xb8;
	[tilespmem:$0x16400] =	vst v63  }
0x59: {  	s9 =	smov.u32 s4  }
0x5a: {  	p0 =	sne.s32 s4, $0x17000;
	s4 =	sadd.s32 $0x1000, s4;
	_ =	swait.ge [sflag:s0], $0x4000  }
0x5b: {  	[sflag:s0] =	ssyncset.done $0x0  }
0x5c: {  	[sflag:s0] =	ssyncadd.s32 $0xFFFFC000  }
0x5d: {  	[hbm4b:s5+s2] =	stream.linear.scatter [tilespmem:s24], [sflag:$0x7], $0x4000, $0x38;
	[tilespmem:$0x16400] =	vst v63  }
0x5e: {  	_ =	swait.ge [sflag:s18], $0x4000  }
0x5f: {  	s9 =	sshra.s32 s9, $0x2;
	[sflag:s18] =	ssyncset.done $0x0  }
0x60: {  	s14 =	sadd.s32 $0x400, s9;
	[sflag:s18] =	ssyncadd.s32 $0xFFFFC000  }
0x61: {  	[tilespmem:s16], [sflag:$0x1] =	stream.indirect.gather [hbm4b:s3+s15], $0x40, s14, s15, $0xb8;
	[tilespmem:$0x16400] =	vst v63  }
0x62: {  	s14 =	sadd.s32 $0x480, s9  }
0x63: {  	[tilespmem:s17], [sflag:$0x1] =	stream.indirect.gather [hbm4b:s3+s15], $0x40, s14, s15, $0xb8;
	[tilespmem:$0x16400] =	vst v63  }
0x64: {  	_ =	swait.ge [sflag:s20], $0x4000  }
0x65: {  	[sflag:s20] =	ssyncset.done $0x0  }
0x66: {  	[sflag:s20] =	ssyncadd.s32 $0xFFFFC000  }
0x67: {  	[hbm4b:s8+s2] =	stream.linear.scatter [tilespmem:s30], [sflag:$0x8], $0x4000, $0x38;
	[tilespmem:$0x16400] =	vst v63  }
0x68: {  	_ =	swait.ge [sflag:s23], $0x4000  }
0x69: {  	[sflag:s23] =	ssyncset.done $0x0  }
0x6a: {  	s14 =	sadd.s32 $0x500, s9;
	[sflag:s23] =	ssyncadd.s32 $0xFFFFC000  }
0x6b: {  	[tilespmem:s19], [sflag:$0x2] =	stream.indirect.gather [hbm4b:s3+s15], $0x40, s14, s15, $0xb8;
	[tilespmem:$0x16400] =	vst v63  }
0x6c: {  	s14 =	sadd.s32 $0x580, s9  }
0x6d: {  	[tilespmem:s21], [sflag:$0x2] =	stream.indirect.gather [hbm4b:s3+s15], $0x40, s14, s15, $0xb8;
	[tilespmem:$0x16400] =	vst v63  }
0x6e: {  	_ =	swait.ge [sflag:s22], $0x4000  }
0x6f: {  	[sflag:s22] =	ssyncset.done $0x0  }
0x70: {  	[sflag:s22] =	ssyncadd.s32 $0xFFFFC000  }
0x71: {  	[hbm4b:s6+s2] =	stream.linear.scatter [tilespmem:s16], [sflag:$0x5], $0x4000, $0x38;
	[tilespmem:$0x16400] =	vst v63  }
0x72: {  	_ =	swait.ge [sflag:s25], $0x4000  }
0x73: {  	[sflag:s25] =	ssyncset.done $0x0  }
0x74: {  	s14 =	sadd.s32 $0x600, s9;
	[sflag:s25] =	ssyncadd.s32 $0xFFFFC000  }
0x75: {  	[tilespmem:s24], [sflag:$0x3] =	stream.indirect.gather [hbm4b:s3+s15], $0x40, s14, s15, $0xb8;
	[tilespmem:$0x16400] =	vst v63  }
0x76: {  	s14 =	sadd.s32 $0x680, s9  }
0x77: {  	[tilespmem:s26], [sflag:$0x3] =	stream.indirect.gather [hbm4b:s3+s15], $0x40, s14, s15, $0xb8;
	[tilespmem:$0x16400] =	vst v63  }
0x78: {  	_ =	swait.ge [sflag:s28], $0x4000  }
0x79: {  	[sflag:s28] =	ssyncset.done $0x0  }
0x7a: {  	[sflag:s28] =	ssyncadd.s32 $0xFFFFC000  }
0x7b: {  	[hbm4b:s7+s2] =	stream.linear.scatter [tilespmem:s19], [sflag:$0x6], $0x4000, $0x38;
	[tilespmem:$0x16400] =	vst v63  }
.Ltmp0:
0x7c: {  	_ =	swait.ge [sflag:s29], $0x4000;
	(pc) =	sbr.rel @p0 .LBB2_2-.Ltmp0, $4  }
0x7d: {  	s6 =	sadd.s32 $0x2000, s6;
	[sflag:s29] =	ssyncset.done $0x0  }
0x7e: {  	s14 =	sadd.s32 $0x700, s9;
	s7 =	sadd.s32 $0x2000, s7;
	[sflag:s29] =	ssyncadd.s32 $0xFFFFC000  }
0x7f: {  	[tilespmem:s30], [sflag:$0x4] =	stream.indirect.gather [hbm4b:s3+s15], $0x40, s14, s15, $0xb8;
	[tilespmem:$0x16400] =	vst v63  }
0x80: {  	s5 =	sadd.s32 $0x2000, s5;
	s8 =	sadd.s32 $0x2000, s8;
	s9 =	sadd.s32 $0x780, s9  }
0x81: {  	[tilespmem:s1], [sflag:$0x4] =	stream.indirect.gather [hbm4b:s3+s15], $0x40, s9, s15, $0xb8;
	[tilespmem:$0x16400] =	vst v63  }
0x82: {  	_ =	swait.ge [sflag:s0], $0x4000  }
0x83: {  	[sflag:s0] =	ssyncset.done $0x0  }
0x84: {  	s4 =	rddreg [dreg:$0x6];
	[sflag:s0] =	ssyncadd.s32 $0xFFFFC000  }
0x85: {  	[hbm4b:s4+s2] =	stream.linear.scatter [tilespmem:s24], [sflag:$0x7], $0x4000, $0x38;
	[tilespmem:$0x16400] =	vst v63  }
0x86: {  	_ =	swait.ge [sflag:s18], $0x4000  }
0x87: {  	[sflag:s18] =	ssyncset.done $0x0  }
0x88: {  	[sflag:s18] =	ssyncadd.s32 $0xFFFFC000  }
0x89: {  	_ =	swait.ge [sflag:s20], $0x4000  }
0x8a: {  	[sflag:s20] =	ssyncset.done $0x0  }
0x8b: {  	s9 =	rddreg [dreg:$0x7];
	[sflag:s20] =	ssyncadd.s32 $0xFFFFC000  }
0x8c: {  	[hbm4b:s9+s2] =	stream.linear.scatter [tilespmem:s30], [sflag:$0x8], $0x4000, $0x38;
	[tilespmem:$0x16400] =	vst v63  }
0x8d: {  	_ =	swait.ge [sflag:s23], $0x4000  }
0x8e: {  	[sflag:s23] =	ssyncset.done $0x0  }
0x8f: {  	[sflag:s23] =	ssyncadd.s32 $0xFFFFC000  }
0x90: {  	_ =	swait.ge [sflag:s25], $0x4000  }
0x91: {  	[sflag:s25] =	ssyncset.done $0x0  }
0x92: {  	[sflag:s25] =	ssyncadd.s32 $0xFFFFC000  }
0x93: {  	_ =	swait.ge [sflag:s29], $0x4000  }
0x94: {  	s31 =	sadd.s32 $0x1, s31;
	s14 =	rddreg [dreg:$0x8]  }
0x95: {  	p0 =	sne.s32 s31, s14  }
.Ltmp1:
0x96: {  	_ = 	snop;
	(pc) =	sbr.rel @p0 .LBB2_1-.Ltmp1, $3  }
0x97: {  	_ =	sdelay $0x1  }
0x98: {  	[sflag:s29] =	ssyncset.done $0x0  }
0x99: {  	[sflag:s29] =	ssyncadd.s32 $0xFFFFC000  }
0x9a: {  	_ =	sfence.sel $0x180000  }
0x9b: {  	[bflag:$0x0] =	sbarrier.arrive $0xFFFF  }
0x9c: {  	_ =	strace $0x90000047  }
0x9d: {  	s0 =	stileid.u32;
	[bflag:$0x2] =	sbarrier.arrive $0xFFFF  }
0x9e: {  	p0 =	sne.s32 s0, $0x0;
	s0 =	rddreg [dreg:$0x2]  }
0x9f: {  	s0 =	sadd.s32 @!p0 $0x100000, s0  }
0xa0: {  	[sflag:s0] =	ssyncadd.tile.s32 @!p0 $0x1;
	_ =	shalt  }
.Lfunc_end2:
_tile_overlayer_lowered:
.L_overlay_start_2:
0xa1: {  	(tag) =	ssettag $0x2  }
0xa2: {  	s0 =	rddreg [dreg:$0x0];
	s2 =	stileid.u32  }
0xa3: {  	s1 =	rddreg [dreg:$0x1];
	p0 =	sne.s32 s2, $0x0  }
0xa4: {  	s3 =	rddreg [dreg:$0x2];
	[bflag:$0x3] =	sbarrier.arrive $0xFFFF;
	s2 =	simm.s32 @!p0 $0x1C09  }
0xa5: {  	[timem:s3], [sflag:s2] =	dma.local @!p0 [hbm:s0], s1  }
0xa6: {  	s0 =	simm.s32 @!p0 $0x9  }
0xa7: {  	_ =	swait.ge @!p0 [sflag:s0], s1  }
0xa8: {  	s1 =	ssub.s32 @!p0 $0x0, s1;
	[sflag:s0] =	ssyncset.done @!p0 $0x0  }
0xa9: {  	[sflag:s0] =	ssyncadd.s32 @!p0 s1  }
0xaa: {  	[bflag:$0x3] =	sbarrier.arrive $0xFFFF  }
0xab: {  	_ =	shalt  }

// kernel: sparse-core-data-format-call.cloned.1.call-start
scs
called_computation_lowered:
.L_overlay_start_0:
0x0: {  	s2 =	sld [smem:$0x3FD9]  }
0x1: {  	s3 =	sld [smem:$0x3FFE];
	_ =	sdelay $0x1  }
0x2: {  	s1 =	srdreg.scid  }
0x3: {  	s0 =	sand.u32 $0x1, s1  }
0x4: {  	s18 =	sshll.u32 s0, $0xA;
	s2 =	sadd.s32 s3, s2  }
0x5: {  	s2 =	sadd.s32 s2, s18  }
0x6: {  	[smem:$0x3FC6] =	sst s2  }
0x7: {  	_ = 	snop  }
0x8: {  	s2 =	sld [smem:$0x3FD0];
	(tm) =	ssettm $0x1  }
0x9: {  	s19 =	sld [smem:$0x3FFB];
	_ =	sdelay $0x3  }
0xa: {  	_ =	strace s19  }
0xb: {  	s3 =	sld [smem:$0x3FFC];
	_ =	sdelay $0x3  }
0xc: {  	_ =	strace s3  }
0xd: {  	s3 =	sld [smem:$0x3FFD];
	_ =	sdelay $0x3  }
0xe: {  	_ =	strace s3  }
0xf: {  	_ =	strace $0x8FFFFFFF  }
0x10: {  	s20 =	sld [smem:$0x3FDB];
	_ =	sdelay $0x1  }
0x11: {  	s4 =	simm.s32 $_scs_section_size  }
0x12: {  	s5 =	simm.s32 $_size__tile_overlayer_lowered;
	s6 =	simm.s32 $_tile_overlayer_lowered  }
0x13: {  	s23 =	simm.s32 $0x1BFF;
	s22 =	sshll.u32 s6, $0x1;
	s3 =	sadd.s32 s4, s20  }
0x14: {  	s7 =	simm.s32 $0x0;
	s21 =	sshll.u32 s5, $0x1;
	s5 =	sadd.s32 s22, s3  }
0x15: {  	[timem:s7], [sflag:s23] =	dma.local [hbm:s5], s21  }
0x16: {  	_ =	swait.ge [sflag:s23], s21  }
0x17: {  	s4 =	ssub.s32 $0x0, s21;
	[sflag:s23] =	ssyncset.done $0x0  }
0x18: {  	[sflag:s23] =	ssyncadd.s32 s4;
	_ =	sdelay $0x1  }
0x19: {  	s24 =	simm.s32 $0x1B8B  }
0x1a: {  	_ =	swait.ge [sflag:s24], $0x1  }
0x1b: {  	[sflag:s24] =	ssyncset.done $0x0  }
0x1c: {  	s26 =	simm.s32 $0x1B8E;
	s25 =	sld [smem:$0x3FFE];
	[sflag:s24] =	ssyncadd.s32 $0xFFFFFFFF  }
0x1d: {  	s27 =	simm.s32 $execute0_lowered;
	[smem:$0x3FD2] =	sst s26  }
0x1e: {  	s5 =	sshll.u32 s27, $0x1;
	_ =	strace $0x80000049;
	[dreg:$0x1] =	wrdreg $0xFFFFFFFF  }
0x1f: {  	s28 =	simm.s32 $_size_execute0_lowered;
	s3 =	sadd.s32 s3, s5;
	[dreg:$0x0] =	wrdreg $0x0  }
0x20: {  	s5 =	sshll.u32 s28, $0x1;
	[dreg:$0x2] =	wrdreg s3  }
0x21: {  	[dreg:$0x3] =	wrdreg s5  }
0x22: {  	[dreg:$0x4] =	wrdreg $0xC0  }
0x23: {  	_ =	task [dreg:s7], $0x5FFFF  }
0x24: {  	[dreg:$0x1] =	wrdreg $0xFFFFFFFF  }
0x25: {  	[dreg:$0x0] =	wrdreg $0x60  }
0x26: {  	[dreg:$0x2] =	wrdreg s25  }
0x27: {  	[dreg:$0x3] =	wrdreg s2  }
0x28: {  	[dreg:$0x4] =	wrdreg $0x9  }
0x29: {  	_ =	task.clear_ibuf [dreg:s7], $0x5FFFF;
	_ =	strace $0x90000049  }
0x2a: {  	s29 =	simm.s32 $0x9;
	_ =	strace $0x8000004B  }
0x2b: {  	_ =	swait.ge [sflag:s29], $0x1  }
0x2c: {  	[sflag:s29] =	ssyncadd.s32 $0xFFFFFFFF  }
0x2d: {  	_ =	strace $0x9000004B  }
0x2e: {  	_ =	sfence  }
0x2f: {  	s30 =	sld [smem:$0x0];
	_ =	sdelay $0x2  }
0x30: {  	s31 =	sshll.u32 s1, $0xD;
	s1 =	sshrl.u32 s1, $0x2  }
0x31: {  	s3 =	sand.u32 $0x4000, s31;
	s1 =	sadd.s32 s1, s30  }
0x32: {  	s0 =	sor.u32 s3, s0;
	s1 =	sshll.u32 s1, $0x11  }
0x33: {  	s0 =	sor.u32 s1, s0  }
0x34: {  	s0 =	sadd.s32 $0x8F2B, s0  }
0x35: {  	[sflag:s0] =	ssyncadd.remote.s32 $0x1  }
0x36: {  	_ =	sfence.sel $0xFFFF  }
0x37: {  	[dreg:$0x0] =	wrdreg $0xFFFFFFFF;
	(pc) =	sbr.abs _section_cstart, $3  }
0x38: {  	[dreg:$0x1] =	wrdreg $0xFFFFFFFF  }
0x39: {  	_ =	task.clear_ibuf [dreg:s7], $0x2FFFF;
	_ =	strace $0x9FFFFFFF  }
0x3a: {  	(tm) =	ssettm $0x7FFFFFFF  }
0x3b: {  	_ =	shalt  }
tec
execute0_lowered:
.L_overlay_start_1:
0x0: {  	(tag) =	ssettag $0x1  }
0x1: {  	s0 =	srdreg.scid  }
0x2: {  	s1 =	sshll.u32 s0, $0x4  }
0x3: {  	s0 =	stileid.u32;
	s1 =	sand.u32 $0x10, s1  }
0x4: {  	s1 =	sor.u32 s0, s1  }
0x5: {  	s6 =	rddreg [dreg:$0x0];
	s4 =	simm.s32 $0x1;
	s2 =	sshll.u32 s1, $0x7  }
0x6: {  	s7 =	simm.s32 $0x2;
	s12 =	simm.s32 $0x0;
	s1 =	ssub.s32 $0x1000, s2  }
0x7: {  	s8 =	simm.s32 $0x8000;
	s13 =	simm.s32 $0x0;
	s3 =	sand.u32 $0xF80, s1  }
0x8: {  	s9 =	simm.s32 $0x0;
	s5 =	sshrl.u32 s1, $0xC;
	p0 =	sne.s32 s3, $0x0  }
.Ltmp0:
0x9: {  	s1 =	rddreg [dreg:$0x2];
	s4 =	simm.s32 @!p0 $0x0;
	(pc) =	sbr.rel .LBB1_1-.Ltmp0, $4  }
0xa: {  	s11 =	simm.s32 $0x0;
	s3 =	rddreg [dreg:$0x1];
	s5 =	sadd.s32 s4, s5  }
0xb: {  	_ =	strace $0x8000004A;
	s4 =	simm.s32 $0x1;
	s5 =	smul.u32 $0xC8, s5  }
0xc: {  	s6 =	sadd.s32 $0xA00, s6;
	s10 =	smov.u32 s2;
	[sflag:s4] =	ssyncpa.u1 $0x0  }
0xd: {  	p0 =	por $0x0, $0x0;
	[sflag:s7] =	ssyncpa.u1 $0x0;
	s7 =	sor.u32 $0x1, s5  }
.LBB1_4:
0xe: {  	s16 =	sshll.u32 s13, $0x3;
	s17 =	sand.u32 $0x78, s13  }
0xf: {  	s30 =	sand.u32 $0x7E00, s13;
	s12 =	sshll.u32 s12, $0xF;
	s16 =	sand.u32 $0xC00, s16  }
0x10: {  	[tilespmem:s15+$0x810 ss:$0x81] =	vst.msk $0xffff, v2;
	s31 =	sand.u32 $0x7, s13;
	s16 =	sor.u32 s17, s16;
	s17 =	sadd.s32 s3, s30  }
0x11: {  	[tilespmem:s15+$0x1020 ss:$0x81] =	vst.msk $0xffff, v0;
	s13 =	sshll.u32 s31, $0x12;
	s12 =	sadd.s32 s12, s17;
	s16 =	sshrl.u32 s16, $0x3  }
0x12: {  	[tilespmem:s15+$0x0 ss:$0x81] =	vst.msk $0xffff, v1;
	s13 =	sor.u32 $0x400, s13;
	s12 =	sadd.s32 s16, s12  }
0x13: {  	[hbm4b:s12+s13] =	stream.strided.scatter [tilespmem:s14], [sflag:$0x2], $0x2000, s8, s13, $0x20;
	[tilespmem:$0x8080] =	vst v63  }
.LBB1_5:
0x14: {  	s14 =	sadd.s32 $0x1, s9  }
0x15: {  	s12 =	sadd.s32 $0x1000, s10;
	s16 =	smov.u32 s10;
	p2 =	sgt.s32 s14, $0xC7  }
0x16: {  	s16 =	smov.u32 @p2 s12  }
0x17: {  	s14 =	simm.s32 @p2 $0x0;
	p2 =	sgt.s32 s16, $0xFFF  }
0x18: {  	s16 =	smov.u32 @p2 s2;
	p2 =	sne.s32 s11, s7  }
.Ltmp1:
0x19: {  	p1 =	slt.u32 s11, $0x2;
	(pc) =	sbr.rel @!p2 .LBB1_6-.Ltmp1, $4  }
0x1a: {  	s15 =	simm.s32 @!p1 $0x2  }
0x1b: {  	s13 =	smov.u32 s10;
	p0 =	por !p0, !p0;
	_ =	swait.ge @!p1 [sflag:s15], $0x2000  }
0x1c: {  	s12 =	smov.u32 s9;
	[sflag:s15] =	ssyncset.done @!p1 $0x0;
	s9 =	smov.u32 s14  }
0x1d: {  	s11 =	sadd.s32 $0x1, s11;
	[sflag:s15] =	ssyncadd.s32 @!p1 $0xFFFFE000;
	s10 =	smov.u32 s16  }
.LBB1_1:
0x1e: {  	p1 =	sge.u32 s11, s5  }
0x1f: {  	s14 =	sand.u32 @!p1 $0x1FFFFFF, s9  }
0x20: {  	s15 =	smulhi.u32 @!p1 $0x147AE15, s14;
	_ =	sdelay $0x1  }
0x21: {  	s15 =	smul.u32 @!p1 $0xC8, s15  }
0x22: {  	s16 =	sxor.u32 @!p1 $0xFFFFFFFF, s11;
	s17 =	smul.u32 @!p1 $0xC80, s10  }
0x23: {  	s31 =	sadd.s32 $0xFFFFFFFF, s11;
	s16 =	sshll.u32 @!p1 s16, $0xD;
	s14 =	ssub.s32 @!p1 s14, s15  }
0x24: {  	s15 =	sand.u32 @!p1 $0x2000, s16;
	s16 =	sadd.s32 @!p1 s6, s17;
	s14 =	sshll.u32 @!p1 s14, $0x4  }
0x25: {  	s17 =	simm.s32 @!p1 $0x6400;
	s14 =	sadd.s32 @!p1 s14, s16;
	s16 =	simm.s32 @!p1 $0x40  }
0x26: {  	[tilespmem:s15], [sflag:$0x1] =	stream.strided.gather @!p1 [hbm4b:s14+s16], $0x2000, s17, s16, $0x38;
	[tilespmem:$0x8080] =	vst v63  }
0x27: {  	p1 =	sge.u32 s31, s5  }
.Ltmp2:
0x28: {  	_ = 	snop;
	(pc) =	sbr.rel @p1 .LBB1_5-.Ltmp2, $1  }
0x29: {  	_ =	sdelay $0x3  }
0x2a: {  	s14 =	simm.s32 $0x1  }
0x2b: {  	_ =	swait.ge [sflag:s4], $0x2000;
	s14 =	simm.s32 @!p0 $0x0  }
0x2c: {  	[sflag:s4] =	ssyncset.done $0x0;
	s15 =	sshll.u32 s14, $0xD  }
0x2d: {  	[sflag:s4] =	ssyncadd.s32 $0xFFFFE000;
	s18 =	sor.u32 $0x20, s15  }
0x2e: {  	s14 =	smul.u32 $0x8100, s14;
	v3 =	vld [tilespmem:s18+$0x10]  }
0x2f: {  	s30 =	sand.u32 $0x1, s11;
	v2 =	vld [tilespmem:s18+$0xFFFFFFF0]  }
0x30: {  	s15 =	smul.u32 $0x8100, s30;
	s14 =	sshrl.u32 s14, $0x2;
	v0 =	vld [tilespmem:s18+$0x0]  }
0x31: {  	v1 =	vld [tilespmem:s18+$0xFFFFFFE0];
	s16 =	sor.u32 $0x4000, s14  }
0x32: {  	s31 =	sshrl.u32 s15, $0x2;
	s15 =	sadd.s32 $0x0, s16  }
0x33: {  	s17 =	simm.s32 $0x4;
	s18 =	sadd.s32 $0x40, s18;
	s14 =	sor.u32 $0x4000, s31;
	[tilespmem:s15+$0x1830 ss:$0x81] =	vst.msk $0xffff, v3  }
.LBB1_3:
0x34: {  	v3 =	vld [tilespmem:s18+$0x10];
	p1 =	sne.s32 s17, $0x1FC;
	[tilespmem:s15+$0x810 ss:$0x81] =	vst.msk $0xffff, v2;
	s19 =	smov.u32 s17;
	s17 =	sadd.s32 $0x4, s17  }
.Ltmp3:
0x35: {  	v2 =	vld [tilespmem:s18+$0xFFFFFFF0];
	[tilespmem:s15+$0x1020 ss:$0x81] =	vst.msk $0xffff, v0;
	(pc) =	sbr.rel @p1 .LBB1_3-.Ltmp3, $4  }
0x36: {  	v0 =	vld [tilespmem:s18+$0x0];
	[tilespmem:s15+$0x0 ss:$0x81] =	vst.msk $0xffff, v1  }
0x37: {  	s15 =	sshra.s32 s19, $0x2;
	v1 =	vld [tilespmem:s18+$0xFFFFFFE0]  }
0x38: {  	s15 =	sadd.s32 s15, s16  }
0x39: {  	s18 =	sadd.s32 $0x40, s18;
	[tilespmem:s15+$0x1830 ss:$0x81] =	vst.msk $0xffff, v3  }
.Ltmp4:
0x3a: {  	_ = 	snop;
	(pc) =	sbr.rel .LBB1_4-.Ltmp4, $1  }
0x3b: {  	_ =	sdelay $0x3  }
.LBB1_6:
0x3c: {  	_ =	sfence.sel $0x180000  }
0x3d: {  	s2 =	simm.s32 $0x1;
	[bflag:$0x0] =	sbarrier.arrive $0xFFFF  }
0x3e: {  	s31 =	simm.s32 $0x2;
	[sflag:s2] =	ssyncpa.u1 $0x1  }
0x3f: {  	[sflag:s31] =	ssyncpa.u1 $0x1  }
0x40: {  	p0 =	sne.s32 s0, $0x0;
	_ =	strace $0x9000004A  }
0x41: {  	s0 =	sadd.s32 @!p0 $0x100000, s1;
	[bflag:$0x2] =	sbarrier.arrive $0xFFFF  }
0x42: {  	[sflag:s0] =	ssyncadd.tile.s32 @!p0 $0x1;
	_ =	shalt  }
.Lfunc_end1:
_tile_overlayer_lowered:
.L_overlay_start_2:
0x43: {  	(tag) =	ssettag $0x2  }
0x44: {  	s0 =	rddreg [dreg:$0x0];
	s2 =	stileid.u32  }
0x45: {  	s1 =	rddreg [dreg:$0x1];
	p0 =	sne.s32 s2, $0x0  }
0x46: {  	s3 =	rddreg [dreg:$0x2];
	[bflag:$0x3] =	sbarrier.arrive $0xFFFF;
	s2 =	simm.s32 @!p0 $0x1C01  }
0x47: {  	[timem:s3], [sflag:s2] =	dma.local @!p0 [hbm:s0], s1  }
0x48: {  	s0 =	simm.s32 @!p0 $0x1  }
0x49: {  	_ =	swait.ge @!p0 [sflag:s0], s1  }
0x4a: {  	s1 =	ssub.s32 @!p0 $0x0, s1;
	[sflag:s0] =	ssyncset.done @!p0 $0x0  }
0x4b: {  	[sflag:s0] =	ssyncadd.s32 @!p0 s1  }
0x4c: {  	[bflag:$0x3] =	sbarrier.arrive $0xFFFF  }
0x4d: {  	_ =	shalt  }

</sc_bundles>
